<compile_context>
chip_gen: v7x
topology: tpu7x:2x2x1
jax: 0.10.2.dev20260603
libtpu: 0.0.44.dev20260713+nightly
codegen_flags: <defaults>
</compile_context>

<pallas_src>
import functools

import jax
import jax.numpy as jnp
from jax import lax
from jax.experimental import pallas as pl
from jax.experimental.pallas import tpu as pltpu
from jax.experimental.pallas import tpu_sc as plsc

N_ITEMS = 100000
DIM = 128
BATCH = 4096
HIST = 50

ROW_BLK = 12800


def _pre_body(rows_ref, w12_ref, b_ref, p1_ref, p2_ref):
    rows = rows_ref[...]
    sq = rows * rows
    ones = jnp.ones((DIM, 1), jnp.float32)
    dn = (((0,), (1,)), ((), ()))
    ss = lax.dot_general(ones, sq, dn)
    d12 = lax.dot_general(w12_ref[...], rows, dn)
    scale = jnp.minimum(1.0, lax.rsqrt(jnp.maximum(ss, 1e-14)))
    p1_ref[...] = d12[0:1, :] * scale
    p2_ref[...] = d12[1:2, :] * scale + b_ref[0, 0]


def _precompute(table, w12, b):
    return pl.pallas_call(
        _pre_body,
        grid=(pl.cdiv(N_ITEMS, ROW_BLK),),
        in_specs=[
            pl.BlockSpec((ROW_BLK, DIM), lambda i: (i, 0)),
            pl.BlockSpec((DIM, 2), lambda i: (0, 0)),
            pl.BlockSpec(memory_space=pltpu.SMEM),
        ],
        out_specs=[
            pl.BlockSpec((1, ROW_BLK), lambda i: (0, i)),
            pl.BlockSpec((1, ROW_BLK), lambda i: (0, i)),
        ],
        out_shape=[
            jax.ShapeDtypeStruct((1, N_ITEMS), jnp.float32),
            jax.ShapeDtypeStruct((1, N_ITEMS), jnp.float32),
        ],
    )(table, w12, b.reshape(1, 1))


_NC, _NS = 2, 16
_NW = _NC * _NS
_BPW = BATCH // _NW
_GSZ = 128


def _pool_body(xw_hbm, item_hbm, p1_hbm, p2_hbm, out_hbm,
               idx_v, item_v, vals_v, ivals_v, out_v, sem):
    wid = lax.axis_index("s") * _NC + lax.axis_index("c")
    base = wid * _BPW

    pltpu.sync_copy(xw_hbm.at[wid], idx_v)
    pltpu.sync_copy(item_hbm.at[pl.ds(base, _BPW)], item_v)

    descs = [pltpu.async_copy(p1_hbm.at[idx_v.at[pl.ds(k * _GSZ, _GSZ)]],
                              vals_v.at[pl.ds(k * _GSZ, _GSZ)], sem)
             for k in range(HIST * _BPW // _GSZ)]
    descs.append(pltpu.async_copy(p2_hbm.at[item_v], ivals_v, sem))
    for d in descs:
        d.wait()

    n_vec = _BPW // 16

    def acc_body(l, accs):
        return tuple(accs[g] + vals_v[pl.ds(l * _BPW + g * 16, 16)]
                     for g in range(n_vec))

    accs = lax.fori_loop(
        0, HIST, acc_body,
        tuple(jnp.zeros((16,), jnp.float32) for _ in range(n_vec)))
    for g in range(n_vec):
        z = accs[g] + ivals_v[pl.ds(g * 16, 16)]
        out_v[pl.ds(g * 16, 16)] = 1.0 / (1.0 + jnp.exp(-z))

    pltpu.sync_copy(out_v, out_hbm.at[pl.ds(base, _BPW)])


@functools.cache
def _make_pool():
    return pl.kernel(
        _pool_body,
        mesh=plsc.VectorSubcoreMesh(core_axis_name="c", subcore_axis_name="s"),
        out_type=jax.ShapeDtypeStruct((BATCH,), jnp.float32),
        scratch_types=[
            pltpu.VMEM((HIST * _BPW,), jnp.int32),
            pltpu.VMEM((_BPW,), jnp.int32),
            pltpu.VMEM((HIST * _BPW,), jnp.float32),
            pltpu.VMEM((_BPW,), jnp.float32),
            pltpu.VMEM((_BPW,), jnp.float32),
            pltpu.SemaphoreType.DMA,
        ],
    )


def kernel(x, item, table, W, b, isTrain):
    w12 = W.reshape(2, DIM).T
    p1, p2 = _precompute(table, w12, b)
    xw = x.T.reshape(HIST, _NW, _BPW).transpose(1, 0, 2).reshape(_NW, HIST * _BPW)
    out = _make_pool()(xw, item, p1.reshape(-1), p2.reshape(-1))
    return out

# --- scband reference (transcript-rebuilt; emitter-appended) ---
"""Pipeline reference for scband-base-sequential-80290118632231 (READ-ONLY COPY).

The authoritative reference and input builder live on the scoring server;
editing this copy changes nothing except your own understanding.
"""

import jax, jax.numpy as jnp
import numpy as np

N_ITEMS = 100000
DIM = 128
BATCH = 4096
HIST = 50


def setup_inputs(seed: int = 0) -> dict:
    key = jax.random.key(seed)
    k1, k2, k3, k4, k5 = jax.random.split(key, 5)
    x = jax.random.randint(k1, (BATCH, HIST), 0, N_ITEMS, dtype=jnp.int64 if jax.config.jax_enable_x64 else jnp.int32).astype(jnp.int32)
    item = jax.random.randint(k2, (BATCH,), 0, N_ITEMS).astype(jnp.int32)
    table = jax.random.normal(k3, (N_ITEMS, DIM), dtype=jnp.float32)
    W = jax.random.normal(k4, (1, 2 * DIM), dtype=jnp.float32) * 0.05
    b = jnp.zeros((1,), dtype=jnp.float32)
    return {"x": x, "item": item, "table": table, "W": W, "b": b, "isTrain": 0}


def _lookup_maxnorm(table, idx):
    # nn.Embedding(max_norm=1): rows are renormalized to norm <= 1 at lookup time
    rows = jnp.take(table, idx, axis=0)
    norm = jnp.linalg.norm(rows, axis=-1, keepdims=True)
    scale = jnp.minimum(1.0, 1.0 / jnp.maximum(norm, 1e-7))
    return rows * scale


def reference(x, item, table, W, b, isTrain=0):
    item_embs = _lookup_maxnorm(table, x)           # [B, L, D]
    sumPool = jnp.sum(item_embs, axis=1)            # [B, D]
    one_item = _lookup_maxnorm(table, item)         # [B, D]
    out = jnp.concatenate([sumPool, one_item], axis=1)  # [B, 2D]
    # isTrain=0 -> dropout is skipped (identity)
    out = jax.nn.sigmoid(out @ W.T + b)             # [B, 1]
    out = jnp.squeeze(out)                          # [B]
    return out

if __name__ == "__main__":
    import jax
    _d = setup_inputs()
    print(jax.jit(kernel)(*tuple(_d.values())))

</pallas_src>

<mosaic_0001>
#map = affine_map<(d0, d1) -> (0, 0)>
#map1 = affine_map<(d0, d1) -> (0)>
module attributes {stable_mosaic.version = 14 : i64} {
  func.func @_pool_body(%arg0: i32, %arg1: i32, %arg2: memref<32x6400xi32, #tpu.memory_space<hbm>>, %arg3: memref<4096xi32, #tpu.memory_space<hbm>>, %arg4: memref<100000xf32, #tpu.memory_space<hbm>>, %arg5: memref<100000xf32, #tpu.memory_space<hbm>>, %arg6: memref<4096xf32, #tpu.memory_space<hbm>>, %arg7: memref<6400xi32, #tpu.memory_space<vmem>>, %arg8: memref<128xi32, #tpu.memory_space<vmem>>, %arg9: memref<6400xf32, #tpu.memory_space<vmem>>, %arg10: memref<128xf32, #tpu.memory_space<vmem>>, %arg11: memref<128xf32, #tpu.memory_space<vmem>>, %arg12: memref<!tpu.dma_semaphore, #tpu.memory_space<semaphore_mem>>) attributes {dimension_semantics = [#tpu.dimension_semantics<core_parallel>, #tpu.dimension_semantics<subcore_parallel>], iteration_bounds = array<i64: 2, 16>, scalar_prefetch = 0 : i64, scratch_operands = 6 : i64, tpu.core_type = #tpu.core_type<sc_vector_subcore>, window_params = [{transform_indices = #map}, {transform_indices = #map1}, {transform_indices = #map1}, {transform_indices = #map1}, {transform_indices = #map1}]} {
    %mul3A = arith.constant 2 : i32
    %mul3A_0 = arith.muli %arg1, %mul3A : i32
    %add3A = arith.addi %mul3A_0, %arg0 : i32
    %mul3A_1 = arith.constant 128 : i32
    %mul3A_2 = arith.muli %add3A, %mul3A_1 : i32
    "tpu.region"() ({
      %run_scoped3A = tpu.sem_alloc : memref<!tpu.dma_semaphore, #tpu.memory_space<semaphore_mem>>
      %dma_start3A_764 = arith.constant 0 : i32
      %dma_start3A_765 = tpu.memref_slice %arg2[%add3A, %dma_start3A_764] : memref<32x6400xi32, #tpu.memory_space<hbm>> -> memref<1x6400xi32, #tpu.memory_space<hbm>>
      %dma_start3A_766 = tpu.memref_squeeze %dma_start3A_765 : memref<1x6400xi32, #tpu.memory_space<hbm>> -> memref<6400xi32, #tpu.memory_space<hbm>>
      %dma_start3A_767 = arith.constant 0 : i32
      %dma_start3A_768 = tpu.memref_slice %arg2[%add3A, %dma_start3A_767] : memref<32x6400xi32, #tpu.memory_space<hbm>> -> memref<1x6400xi32, #tpu.memory_space<hbm>>
      %dma_start3A_769 = tpu.memref_squeeze %dma_start3A_768 : memref<1x6400xi32, #tpu.memory_space<hbm>> -> memref<6400xi32, #tpu.memory_space<hbm>>
      tpu.enqueue_dma source(%dma_start3A_769 : memref<6400xi32, #tpu.memory_space<hbm>>) target(%arg7 : memref<6400xi32, #tpu.memory_space<vmem>>) target_semaphore(%run_scoped3A : memref<!tpu.dma_semaphore, #tpu.memory_space<semaphore_mem>>)
      %dma_wait3A_770 = arith.constant 0 : i32
      %dma_wait3A_771 = tpu.memref_slice %arg2[%add3A, %dma_wait3A_770] : memref<32x6400xi32, #tpu.memory_space<hbm>> -> memref<1x6400xi32, #tpu.memory_space<hbm>>
      %dma_wait3A_772 = tpu.memref_squeeze %dma_wait3A_771 : memref<1x6400xi32, #tpu.memory_space<hbm>> -> memref<6400xi32, #tpu.memory_space<hbm>>
      %dma_wait3A_773 = arith.constant 0 : i32
      %dma_wait3A_774 = tpu.memref_slice %arg2[%add3A, %dma_wait3A_773] : memref<32x6400xi32, #tpu.memory_space<hbm>> -> memref<1x6400xi32, #tpu.memory_space<hbm>>
      %dma_wait3A_775 = tpu.memref_squeeze %dma_wait3A_774 : memref<1x6400xi32, #tpu.memory_space<hbm>> -> memref<6400xi32, #tpu.memory_space<hbm>>
      tpu.wait_dma2 semaphore(%run_scoped3A : memref<!tpu.dma_semaphore, #tpu.memory_space<semaphore_mem>>) src(%dma_wait3A_775 : memref<6400xi32, #tpu.memory_space<hbm>>) dst(%arg7 : memref<6400xi32, #tpu.memory_space<vmem>>)
      tpu.yield
    }) : () -> ()
    "tpu.region"() ({
      %run_scoped3A = tpu.sem_alloc : memref<!tpu.dma_semaphore, #tpu.memory_space<semaphore_mem>>
      %dma_start3A_764 = tpu.memref_slice %arg3[%mul3A_2] : memref<4096xi32, #tpu.memory_space<hbm>> -> memref<128xi32, #tpu.memory_space<hbm>>
      %dma_start3A_765 = tpu.memref_slice %arg3[%mul3A_2] : memref<4096xi32, #tpu.memory_space<hbm>> -> memref<128xi32, #tpu.memory_space<hbm>>
      tpu.enqueue_dma source(%dma_start3A_765 : memref<128xi32, #tpu.memory_space<hbm>>) target(%arg8 : memref<128xi32, #tpu.memory_space<vmem>>) target_semaphore(%run_scoped3A : memref<!tpu.dma_semaphore, #tpu.memory_space<semaphore_mem>>)
      %dma_wait3A_766 = tpu.memref_slice %arg3[%mul3A_2] : memref<4096xi32, #tpu.memory_space<hbm>> -> memref<128xi32, #tpu.memory_space<hbm>>
      %dma_wait3A_767 = tpu.memref_slice %arg3[%mul3A_2] : memref<4096xi32, #tpu.memory_space<hbm>> -> memref<128xi32, #tpu.memory_space<hbm>>
      tpu.wait_dma2 semaphore(%run_scoped3A : memref<!tpu.dma_semaphore, #tpu.memory_space<semaphore_mem>>) src(%dma_wait3A_767 : memref<128xi32, #tpu.memory_space<hbm>>) dst(%arg8 : memref<128xi32, #tpu.memory_space<vmem>>)
      tpu.yield
    }) : () -> ()
    %dma_start3A = arith.constant 0 : i32
    %dma_start3A_3 = tpu.memref_slice %arg9[%dma_start3A] : memref<6400xf32, #tpu.memory_space<vmem>> -> memref<128xf32, #tpu.memory_space<vmem>>
    %dma_start3A_4 = arith.constant 0 : i32
    %dma_start3A_5 = tpu.memref_slice %arg7[%dma_start3A_4] : memref<6400xi32, #tpu.memory_space<vmem>> -> memref<128xi32, #tpu.memory_space<vmem>>
    %dma_start3A_6 = arith.constant 0 : i32
    %dma_start3A_7 = tpu.memref_slice %arg4[%dma_start3A_6] : memref<100000xf32, #tpu.memory_space<hbm>> -> memref<100000xf32, #tpu.memory_space<hbm>>
    tpu.enqueue_indirect_dma source(%dma_start3A_7 : memref<100000xf32, #tpu.memory_space<hbm>>) target(%dma_start3A_3 : memref<128xf32, #tpu.memory_space<vmem>>) offsets(%dma_start3A_5 : memref<128xi32, #tpu.memory_space<vmem>>) semaphore(%arg12 : memref<!tpu.dma_semaphore, #tpu.memory_space<semaphore_mem>>)
    %dma_start3A_8 = arith.constant 128 : i32
    %dma_start3A_9 = tpu.memref_slice %arg9[%dma_start3A_8] : memref<6400xf32, #tpu.memory_space<vmem>> -> memref<128xf32, #tpu.memory_space<vmem>>
    %dma_start3A_10 = arith.constant 128 : i32
    %dma_start3A_11 = tpu.memref_slice %arg7[%dma_start3A_10] : memref<6400xi32, #tpu.memory_space<vmem>> -> memref<128xi32, #tpu.memory_space<vmem>>
    %dma_start3A_12 = arith.constant 0 : i32
    %dma_start3A_13 = tpu.memref_slice %arg4[%dma_start3A_12] : memref<100000xf32, #tpu.memory_space<hbm>> -> memref<100000xf32, #tpu.memory_space<hbm>>
    tpu.enqueue_indirect_dma source(%dma_start3A_13 : memref<100000xf32, #tpu.memory_space<hbm>>) target(%dma_start3A_9 : memref<128xf32, #tpu.memory_space<vmem>>) offsets(%dma_start3A_11 : memref<128xi32, #tpu.memory_space<vmem>>) semaphore(%arg12 : memref<!tpu.dma_semaphore, #tpu.memory_space<semaphore_mem>>)
    %dma_start3A_14 = arith.constant 256 : i32
    %dma_start3A_15 = tpu.memref_slice %arg9[%dma_start3A_14] : memref<6400xf32, #tpu.memory_space<vmem>> -> memref<128xf32, #tpu.memory_space<vmem>>
    %dma_start3A_16 = arith.constant 256 : i32
    %dma_start3A_17 = tpu.memref_slice %arg7[%dma_start3A_16] : memref<6400xi32, #tpu.memory_space<vmem>> -> memref<128xi32, #tpu.memory_space<vmem>>
    %dma_start3A_18 = arith.constant 0 : i32
    %dma_start3A_19 = tpu.memref_slice %arg4[%dma_start3A_18] : memref<100000xf32, #tpu.memory_space<hbm>> -> memref<100000xf32, #tpu.memory_space<hbm>>
    tpu.enqueue_indirect_dma source(%dma_start3A_19 : memref<100000xf32, #tpu.memory_space<hbm>>) target(%dma_start3A_15 : memref<128xf32, #tpu.memory_space<vmem>>) offsets(%dma_start3A_17 : memref<128xi32, #tpu.memory_space<vmem>>) semaphore(%arg12 : memref<!tpu.dma_semaphore, #tpu.memory_space<semaphore_mem>>)
    %dma_start3A_20 = arith.constant 384 : i32
    %dma_start3A_21 = tpu.memref_slice %arg9[%dma_start3A_20] : memref<6400xf32, #tpu.memory_space<vmem>> -> memref<128xf32, #tpu.memory_space<vmem>>
    %dma_start3A_22 = arith.constant 384 : i32
    %dma_start3A_23 = tpu.memref_slice %arg7[%dma_start3A_22] : memref<6400xi32, #tpu.memory_space<vmem>> -> memref<128xi32, #tpu.memory_space<vmem>>
    %dma_start3A_24 = arith.constant 0 : i32
    %dma_start3A_25 = tpu.memref_slice %arg4[%dma_start3A_24] : memref<100000xf32, #tpu.memory_space<hbm>> -> memref<100000xf32, #tpu.memory_space<hbm>>
    tpu.enqueue_indirect_dma source(%dma_start3A_25 : memref<100000xf32, #tpu.memory_space<hbm>>) target(%dma_start3A_21 : memref<128xf32, #tpu.memory_space<vmem>>) offsets(%dma_start3A_23 : memref<128xi32, #tpu.memory_space<vmem>>) semaphore(%arg12 : memref<!tpu.dma_semaphore, #tpu.memory_space<semaphore_mem>>)
    %dma_start3A_26 = arith.constant 512 : i32
    %dma_start3A_27 = tpu.memref_slice %arg9[%dma_start3A_26] : memref<6400xf32, #tpu.memory_space<vmem>> -> memref<128xf32, #tpu.memory_space<vmem>>
    %dma_start3A_28 = arith.constant 512 : i32
    %dma_start3A_29 = tpu.memref_slice %arg7[%dma_start3A_28] : memref<6400xi32, #tpu.memory_space<vmem>> -> memref<128xi32, #tpu.memory_space<vmem>>
    %dma_start3A_30 = arith.constant 0 : i32
    %dma_start3A_31 = tpu.memref_slice %arg4[%dma_start3A_30] : memref<100000xf32, #tpu.memory_space<hbm>> -> memref<100000xf32, #tpu.memory_space<hbm>>
    tpu.enqueue_indirect_dma source(%dma_start3A_31 : memref<100000xf32, #tpu.memory_space<hbm>>) target(%dma_start3A_27 : memref<128xf32, #tpu.memory_space<vmem>>) offsets(%dma_start3A_29 : memref<128xi32, #tpu.memory_space<vmem>>) semaphore(%arg12 : memref<!tpu.dma_semaphore, #tpu.memory_space<semaphore_mem>>)
    %dma_start3A_32 = arith.constant 640 : i32
    %dma_start3A_33 = tpu.memref_slice %arg9[%dma_start3A_32] : memref<6400xf32, #tpu.memory_space<vmem>> -> memref<128xf32, #tpu.memory_space<vmem>>
    %dma_start3A_34 = arith.constant 640 : i32
    %dma_start3A_35 = tpu.memref_slice %arg7[%dma_start3A_34] : memref<6400xi32, #tpu.memory_space<vmem>> -> memref<128xi32, #tpu.memory_space<vmem>>
    %dma_start3A_36 = arith.constant 0 : i32
    %dma_start3A_37 = tpu.memref_slice %arg4[%dma_start3A_36] : memref<100000xf32, #tpu.memory_space<hbm>> -> memref<100000xf32, #tpu.memory_space<hbm>>
    tpu.enqueue_indirect_dma source(%dma_start3A_37 : memref<100000xf32, #tpu.memory_space<hbm>>) target(%dma_start3A_33 : memref<128xf32, #tpu.memory_space<vmem>>) offsets(%dma_start3A_35 : memref<128xi32, #tpu.memory_space<vmem>>) semaphore(%arg12 : memref<!tpu.dma_semaphore, #tpu.memory_space<semaphore_mem>>)
    %dma_start3A_38 = arith.constant 768 : i32
    %dma_start3A_39 = tpu.memref_slice %arg9[%dma_start3A_38] : memref<6400xf32, #tpu.memory_space<vmem>> -> memref<128xf32, #tpu.memory_space<vmem>>
    %dma_start3A_40 = arith.constant 768 : i32
    %dma_start3A_41 = tpu.memref_slice %arg7[%dma_start3A_40] : memref<6400xi32, #tpu.memory_space<vmem>> -> memref<128xi32, #tpu.memory_space<vmem>>
    %dma_start3A_42 = arith.constant 0 : i32
    %dma_start3A_43 = tpu.memref_slice %arg4[%dma_start3A_42] : memref<100000xf32, #tpu.memory_space<hbm>> -> memref<100000xf32, #tpu.memory_space<hbm>>
    tpu.enqueue_indirect_dma source(%dma_start3A_43 : memref<100000xf32, #tpu.memory_space<hbm>>) target(%dma_start3A_39 : memref<128xf32, #tpu.memory_space<vmem>>) offsets(%dma_start3A_41 : memref<128xi32, #tpu.memory_space<vmem>>) semaphore(%arg12 : memref<!tpu.dma_semaphore, #tpu.memory_space<semaphore_mem>>)
    %dma_start3A_44 = arith.constant 896 : i32
    %dma_start3A_45 = tpu.memref_slice %arg9[%dma_start3A_44] : memref<6400xf32, #tpu.memory_space<vmem>> -> memref<128xf32, #tpu.memory_space<vmem>>
    %dma_start3A_46 = arith.constant 896 : i32
    %dma_start3A_47 = tpu.memref_slice %arg7[%dma_start3A_46] : memref<6400xi32, #tpu.memory_space<vmem>> -> memref<128xi32, #tpu.memory_space<vmem>>
    %dma_start3A_48 = arith.constant 0 : i32
    %dma_start3A_49 = tpu.memref_slice %arg4[%dma_start3A_48] : memref<100000xf32, #tpu.memory_space<hbm>> -> memref<100000xf32, #tpu.memory_space<hbm>>
    tpu.enqueue_indirect_dma source(%dma_start3A_49 : memref<100000xf32, #tpu.memory_space<hbm>>) target(%dma_start3A_45 : memref<128xf32, #tpu.memory_space<vmem>>) offsets(%dma_start3A_47 : memref<128xi32, #tpu.memory_space<vmem>>) semaphore(%arg12 : memref<!tpu.dma_semaphore, #tpu.memory_space<semaphore_mem>>)
    %dma_start3A_50 = arith.constant 1024 : i32
    %dma_start3A_51 = tpu.memref_slice %arg9[%dma_start3A_50] : memref<6400xf32, #tpu.memory_space<vmem>> -> memref<128xf32, #tpu.memory_space<vmem>>
    %dma_start3A_52 = arith.constant 1024 : i32
    %dma_start3A_53 = tpu.memref_slice %arg7[%dma_start3A_52] : memref<6400xi32, #tpu.memory_space<vmem>> -> memref<128xi32, #tpu.memory_space<vmem>>
    %dma_start3A_54 = arith.constant 0 : i32
    %dma_start3A_55 = tpu.memref_slice %arg4[%dma_start3A_54] : memref<100000xf32, #tpu.memory_space<hbm>> -> memref<100000xf32, #tpu.memory_space<hbm>>
    tpu.enqueue_indirect_dma source(%dma_start3A_55 : memref<100000xf32, #tpu.memory_space<hbm>>) target(%dma_start3A_51 : memref<128xf32, #tpu.memory_space<vmem>>) offsets(%dma_start3A_53 : memref<128xi32, #tpu.memory_space<vmem>>) semaphore(%arg12 : memref<!tpu.dma_semaphore, #tpu.memory_space<semaphore_mem>>)
    %dma_start3A_56 = arith.constant 1152 : i32
    %dma_start3A_57 = tpu.memref_slice %arg9[%dma_start3A_56] : memref<6400xf32, #tpu.memory_space<vmem>> -> memref<128xf32, #tpu.memory_space<vmem>>
    %dma_start3A_58 = arith.constant 1152 : i32
    %dma_start3A_59 = tpu.memref_slice %arg7[%dma_start3A_58] : memref<6400xi32, #tpu.memory_space<vmem>> -> memref<128xi32, #tpu.memory_space<vmem>>
    %dma_start3A_60 = arith.constant 0 : i32
    %dma_start3A_61 = tpu.memref_slice %arg4[%dma_start3A_60] : memref<100000xf32, #tpu.memory_space<hbm>> -> memref<100000xf32, #tpu.memory_space<hbm>>
    tpu.enqueue_indirect_dma source(%dma_start3A_61 : memref<100000xf32, #tpu.memory_space<hbm>>) target(%dma_start3A_57 : memref<128xf32, #tpu.memory_space<vmem>>) offsets(%dma_start3A_59 : memref<128xi32, #tpu.memory_space<vmem>>) semaphore(%arg12 : memref<!tpu.dma_semaphore, #tpu.memory_space<semaphore_mem>>)
    %dma_start3A_62 = arith.constant 1280 : i32
    %dma_start3A_63 = tpu.memref_slice %arg9[%dma_start3A_62] : memref<6400xf32, #tpu.memory_space<vmem>> -> memref<128xf32, #tpu.memory_space<vmem>>
    %dma_start3A_64 = arith.constant 1280 : i32
    %dma_start3A_65 = tpu.memref_slice %arg7[%dma_start3A_64] : memref<6400xi32, #tpu.memory_space<vmem>> -> memref<128xi32, #tpu.memory_space<vmem>>
    %dma_start3A_66 = arith.constant 0 : i32
    %dma_start3A_67 = tpu.memref_slice %arg4[%dma_start3A_66] : memref<100000xf32, #tpu.memory_space<hbm>> -> memref<100000xf32, #tpu.memory_space<hbm>>
    tpu.enqueue_indirect_dma source(%dma_start3A_67 : memref<100000xf32, #tpu.memory_space<hbm>>) target(%dma_start3A_63 : memref<128xf32, #tpu.memory_space<vmem>>) offsets(%dma_start3A_65 : memref<128xi32, #tpu.memory_space<vmem>>) semaphore(%arg12 : memref<!tpu.dma_semaphore, #tpu.memory_space<semaphore_mem>>)
    %dma_start3A_68 = arith.constant 1408 : i32
    %dma_start3A_69 = tpu.memref_slice %arg9[%dma_start3A_68] : memref<6400xf32, #tpu.memory_space<vmem>> -> memref<128xf32, #tpu.memory_space<vmem>>
    %dma_start3A_70 = arith.constant 1408 : i32
    %dma_start3A_71 = tpu.memref_slice %arg7[%dma_start3A_70] : memref<6400xi32, #tpu.memory_space<vmem>> -> memref<128xi32, #tpu.memory_space<vmem>>
    %dma_start3A_72 = arith.constant 0 : i32
    %dma_start3A_73 = tpu.memref_slice %arg4[%dma_start3A_72] : memref<100000xf32, #tpu.memory_space<hbm>> -> memref<100000xf32, #tpu.memory_space<hbm>>
    tpu.enqueue_indirect_dma source(%dma_start3A_73 : memref<100000xf32, #tpu.memory_space<hbm>>) target(%dma_start3A_69 : memref<128xf32, #tpu.memory_space<vmem>>) offsets(%dma_start3A_71 : memref<128xi32, #tpu.memory_space<vmem>>) semaphore(%arg12 : memref<!tpu.dma_semaphore, #tpu.memory_space<semaphore_mem>>)
    %dma_start3A_74 = arith.constant 1536 : i32
    %dma_start3A_75 = tpu.memref_slice %arg9[%dma_start3A_74] : memref<6400xf32, #tpu.memory_space<vmem>> -> memref<128xf32, #tpu.memory_space<vmem>>
    %dma_start3A_76 = arith.constant 1536 : i32
    %dma_start3A_77 = tpu.memref_slice %arg7[%dma_start3A_76] : memref<6400xi32, #tpu.memory_space<vmem>> -> memref<128xi32, #tpu.memory_space<vmem>>
    %dma_start3A_78 = arith.constant 0 : i32
    %dma_start3A_79 = tpu.memref_slice %arg4[%dma_start3A_78] : memref<100000xf32, #tpu.memory_space<hbm>> -> memref<100000xf32, #tpu.memory_space<hbm>>
    tpu.enqueue_indirect_dma source(%dma_start3A_79 : memref<100000xf32, #tpu.memory_space<hbm>>) target(%dma_start3A_75 : memref<128xf32, #tpu.memory_space<vmem>>) offsets(%dma_start3A_77 : memref<128xi32, #tpu.memory_space<vmem>>) semaphore(%arg12 : memref<!tpu.dma_semaphore, #tpu.memory_space<semaphore_mem>>)
    %dma_start3A_80 = arith.constant 1664 : i32
    %dma_start3A_81 = tpu.memref_slice %arg9[%dma_start3A_80] : memref<6400xf32, #tpu.memory_space<vmem>> -> memref<128xf32, #tpu.memory_space<vmem>>
    %dma_start3A_82 = arith.constant 1664 : i32
    %dma_start3A_83 = tpu.memref_slice %arg7[%dma_start3A_82] : memref<6400xi32, #tpu.memory_space<vmem>> -> memref<128xi32, #tpu.memory_space<vmem>>
    %dma_start3A_84 = arith.constant 0 : i32
    %dma_start3A_85 = tpu.memref_slice %arg4[%dma_start3A_84] : memref<100000xf32, #tpu.memory_space<hbm>> -> memref<100000xf32, #tpu.memory_space<hbm>>
    tpu.enqueue_indirect_dma source(%dma_start3A_85 : memref<100000xf32, #tpu.memory_space<hbm>>) target(%dma_start3A_81 : memref<128xf32, #tpu.memory_space<vmem>>) offsets(%dma_start3A_83 : memref<128xi32, #tpu.memory_space<vmem>>) semaphore(%arg12 : memref<!tpu.dma_semaphore, #tpu.memory_space<semaphore_mem>>)
    %dma_start3A_86 = arith.constant 1792 : i32
    %dma_start3A_87 = tpu.memref_slice %arg9[%dma_start3A_86] : memref<6400xf32, #tpu.memory_space<vmem>> -> memref<128xf32, #tpu.memory_space<vmem>>
    %dma_start3A_88 = arith.constant 1792 : i32
    %dma_start3A_89 = tpu.memref_slice %arg7[%dma_start3A_88] : memref<6400xi32, #tpu.memory_space<vmem>> -> memref<128xi32, #tpu.memory_space<vmem>>
    %dma_start3A_90 = arith.constant 0 : i32
    %dma_start3A_91 = tpu.memref_slice %arg4[%dma_start3A_90] : memref<100000xf32, #tpu.memory_space<hbm>> -> memref<100000xf32, #tpu.memory_space<hbm>>
    tpu.enqueue_indirect_dma source(%dma_start3A_91 : memref<100000xf32, #tpu.memory_space<hbm>>) target(%dma_start3A_87 : memref<128xf32, #tpu.memory_space<vmem>>) offsets(%dma_start3A_89 : memref<128xi32, #tpu.memory_space<vmem>>) semaphore(%arg12 : memref<!tpu.dma_semaphore, #tpu.memory_space<semaphore_mem>>)
    %dma_start3A_92 = arith.constant 1920 : i32
    %dma_start3A_93 = tpu.memref_slice %arg9[%dma_start3A_92] : memref<6400xf32, #tpu.memory_space<vmem>> -> memref<128xf32, #tpu.memory_space<vmem>>
    %dma_start3A_94 = arith.constant 1920 : i32
    %dma_start3A_95 = tpu.memref_slice %arg7[%dma_start3A_94] : memref<6400xi32, #tpu.memory_space<vmem>> -> memref<128xi32, #tpu.memory_space<vmem>>
    %dma_start3A_96 = arith.constant 0 : i32
    %dma_start3A_97 = tpu.memref_slice %arg4[%dma_start3A_96] : memref<100000xf32, #tpu.memory_space<hbm>> -> memref<100000xf32, #tpu.memory_space<hbm>>
    tpu.enqueue_indirect_dma source(%dma_start3A_97 : memref<100000xf32, #tpu.memory_space<hbm>>) target(%dma_start3A_93 : memref<128xf32, #tpu.memory_space<vmem>>) offsets(%dma_start3A_95 : memref<128xi32, #tpu.memory_space<vmem>>) semaphore(%arg12 : memref<!tpu.dma_semaphore, #tpu.memory_space<semaphore_mem>>)
    %dma_start3A_98 = arith.constant 2048 : i32
    %dma_start3A_99 = tpu.memref_slice %arg9[%dma_start3A_98] : memref<6400xf32, #tpu.memory_space<vmem>> -> memref<128xf32, #tpu.memory_space<vmem>>
    %dma_start3A_100 = arith.constant 2048 : i32
    %dma_start3A_101 = tpu.memref_slice %arg7[%dma_start3A_100] : memref<6400xi32, #tpu.memory_space<vmem>> -> memref<128xi32, #tpu.memory_space<vmem>>
    %dma_start3A_102 = arith.constant 0 : i32
    %dma_start3A_103 = tpu.memref_slice %arg4[%dma_start3A_102] : memref<100000xf32, #tpu.memory_space<hbm>> -> memref<100000xf32, #tpu.memory_space<hbm>>
    tpu.enqueue_indirect_dma source(%dma_start3A_103 : memref<100000xf32, #tpu.memory_space<hbm>>) target(%dma_start3A_99 : memref<128xf32, #tpu.memory_space<vmem>>) offsets(%dma_start3A_101 : memref<128xi32, #tpu.memory_space<vmem>>) semaphore(%arg12 : memref<!tpu.dma_semaphore, #tpu.memory_space<semaphore_mem>>)
    %dma_start3A_104 = arith.constant 2176 : i32
    %dma_start3A_105 = tpu.memref_slice %arg9[%dma_start3A_104] : memref<6400xf32, #tpu.memory_space<vmem>> -> memref<128xf32, #tpu.memory_space<vmem>>
    %dma_start3A_106 = arith.constant 2176 : i32
    %dma_start3A_107 = tpu.memref_slice %arg7[%dma_start3A_106] : memref<6400xi32, #tpu.memory_space<vmem>> -> memref<128xi32, #tpu.memory_space<vmem>>
    %dma_start3A_108 = arith.constant 0 : i32
    %dma_start3A_109 = tpu.memref_slice %arg4[%dma_start3A_108] : memref<100000xf32, #tpu.memory_space<hbm>> -> memref<100000xf32, #tpu.memory_space<hbm>>
    tpu.enqueue_indirect_dma source(%dma_start3A_109 : memref<100000xf32, #tpu.memory_space<hbm>>) target(%dma_start3A_105 : memref<128xf32, #tpu.memory_space<vmem>>) offsets(%dma_start3A_107 : memref<128xi32, #tpu.memory_space<vmem>>) semaphore(%arg12 : memref<!tpu.dma_semaphore, #tpu.memory_space<semaphore_mem>>)
    %dma_start3A_110 = arith.constant 2304 : i32
    %dma_start3A_111 = tpu.memref_slice %arg9[%dma_start3A_110] : memref<6400xf32, #tpu.memory_space<vmem>> -> memref<128xf32, #tpu.memory_space<vmem>>
    %dma_start3A_112 = arith.constant 2304 : i32
    %dma_start3A_113 = tpu.memref_slice %arg7[%dma_start3A_112] : memref<6400xi32, #tpu.memory_space<vmem>> -> memref<128xi32, #tpu.memory_space<vmem>>
    %dma_start3A_114 = arith.constant 0 : i32
    %dma_start3A_115 = tpu.memref_slice %arg4[%dma_start3A_114] : memref<100000xf32, #tpu.memory_space<hbm>> -> memref<100000xf32, #tpu.memory_space<hbm>>
    tpu.enqueue_indirect_dma source(%dma_start3A_115 : memref<100000xf32, #tpu.memory_space<hbm>>) target(%dma_start3A_111 : memref<128xf32, #tpu.memory_space<vmem>>) offsets(%dma_start3A_113 : memref<128xi32, #tpu.memory_space<vmem>>) semaphore(%arg12 : memref<!tpu.dma_semaphore, #tpu.memory_space<semaphore_mem>>)
    %dma_start3A_116 = arith.constant 2432 : i32
    %dma_start3A_117 = tpu.memref_slice %arg9[%dma_start3A_116] : memref<6400xf32, #tpu.memory_space<vmem>> -> memref<128xf32, #tpu.memory_space<vmem>>
    %dma_start3A_118 = arith.constant 2432 : i32
    %dma_start3A_119 = tpu.memref_slice %arg7[%dma_start3A_118] : memref<6400xi32, #tpu.memory_space<vmem>> -> memref<128xi32, #tpu.memory_space<vmem>>
    %dma_start3A_120 = arith.constant 0 : i32
    %dma_start3A_121 = tpu.memref_slice %arg4[%dma_start3A_120] : memref<100000xf32, #tpu.memory_space<hbm>> -> memref<100000xf32, #tpu.memory_space<hbm>>
    tpu.enqueue_indirect_dma source(%dma_start3A_121 : memref<100000xf32, #tpu.memory_space<hbm>>) target(%dma_start3A_117 : memref<128xf32, #tpu.memory_space<vmem>>) offsets(%dma_start3A_119 : memref<128xi32, #tpu.memory_space<vmem>>) semaphore(%arg12 : memref<!tpu.dma_semaphore, #tpu.memory_space<semaphore_mem>>)
    %dma_start3A_122 = arith.constant 2560 : i32
    %dma_start3A_123 = tpu.memref_slice %arg9[%dma_start3A_122] : memref<6400xf32, #tpu.memory_space<vmem>> -> memref<128xf32, #tpu.memory_space<vmem>>
    %dma_start3A_124 = arith.constant 2560 : i32
    %dma_start3A_125 = tpu.memref_slice %arg7[%dma_start3A_124] : memref<6400xi32, #tpu.memory_space<vmem>> -> memref<128xi32, #tpu.memory_space<vmem>>
    %dma_start3A_126 = arith.constant 0 : i32
    %dma_start3A_127 = tpu.memref_slice %arg4[%dma_start3A_126] : memref<100000xf32, #tpu.memory_space<hbm>> -> memref<100000xf32, #tpu.memory_space<hbm>>
    tpu.enqueue_indirect_dma source(%dma_start3A_127 : memref<100000xf32, #tpu.memory_space<hbm>>) target(%dma_start3A_123 : memref<128xf32, #tpu.memory_space<vmem>>) offsets(%dma_start3A_125 : memref<128xi32, #tpu.memory_space<vmem>>) semaphore(%arg12 : memref<!tpu.dma_semaphore, #tpu.memory_space<semaphore_mem>>)
    %dma_start3A_128 = arith.constant 2688 : i32
    %dma_start3A_129 = tpu.memref_slice %arg9[%dma_start3A_128] : memref<6400xf32, #tpu.memory_space<vmem>> -> memref<128xf32, #tpu.memory_space<vmem>>
    %dma_start3A_130 = arith.constant 2688 : i32
    %dma_start3A_131 = tpu.memref_slice %arg7[%dma_start3A_130] : memref<6400xi32, #tpu.memory_space<vmem>> -> memref<128xi32, #tpu.memory_space<vmem>>
    %dma_start3A_132 = arith.constant 0 : i32
    %dma_start3A_133 = tpu.memref_slice %arg4[%dma_start3A_132] : memref<100000xf32, #tpu.memory_space<hbm>> -> memref<100000xf32, #tpu.memory_space<hbm>>
    tpu.enqueue_indirect_dma source(%dma_start3A_133 : memref<100000xf32, #tpu.memory_space<hbm>>) target(%dma_start3A_129 : memref<128xf32, #tpu.memory_space<vmem>>) offsets(%dma_start3A_131 : memref<128xi32, #tpu.memory_space<vmem>>) semaphore(%arg12 : memref<!tpu.dma_semaphore, #tpu.memory_space<semaphore_mem>>)
    %dma_start3A_134 = arith.constant 2816 : i32
    %dma_start3A_135 = tpu.memref_slice %arg9[%dma_start3A_134] : memref<6400xf32, #tpu.memory_space<vmem>> -> memref<128xf32, #tpu.memory_space<vmem>>
    %dma_start3A_136 = arith.constant 2816 : i32
    %dma_start3A_137 = tpu.memref_slice %arg7[%dma_start3A_136] : memref<6400xi32, #tpu.memory_space<vmem>> -> memref<128xi32, #tpu.memory_space<vmem>>
    %dma_start3A_138 = arith.constant 0 : i32
    %dma_start3A_139 = tpu.memref_slice %arg4[%dma_start3A_138] : memref<100000xf32, #tpu.memory_space<hbm>> -> memref<100000xf32, #tpu.memory_space<hbm>>
    tpu.enqueue_indirect_dma source(%dma_start3A_139 : memref<100000xf32, #tpu.memory_space<hbm>>) target(%dma_start3A_135 : memref<128xf32, #tpu.memory_space<vmem>>) offsets(%dma_start3A_137 : memref<128xi32, #tpu.memory_space<vmem>>) semaphore(%arg12 : memref<!tpu.dma_semaphore, #tpu.memory_space<semaphore_mem>>)
    %dma_start3A_140 = arith.constant 2944 : i32
    %dma_start3A_141 = tpu.memref_slice %arg9[%dma_start3A_140] : memref<6400xf32, #tpu.memory_space<vmem>> -> memref<128xf32, #tpu.memory_space<vmem>>
    %dma_start3A_142 = arith.constant 2944 : i32
    %dma_start3A_143 = tpu.memref_slice %arg7[%dma_start3A_142] : memref<6400xi32, #tpu.memory_space<vmem>> -> memref<128xi32, #tpu.memory_space<vmem>>
    %dma_start3A_144 = arith.constant 0 : i32
    %dma_start3A_145 = tpu.memref_slice %arg4[%dma_start3A_144] : memref<100000xf32, #tpu.memory_space<hbm>> -> memref<100000xf32, #tpu.memory_space<hbm>>
    tpu.enqueue_indirect_dma source(%dma_start3A_145 : memref<100000xf32, #tpu.memory_space<hbm>>) target(%dma_start3A_141 : memref<128xf32, #tpu.memory_space<vmem>>) offsets(%dma_start3A_143 : memref<128xi32, #tpu.memory_space<vmem>>) semaphore(%arg12 : memref<!tpu.dma_semaphore, #tpu.memory_space<semaphore_mem>>)
    %dma_start3A_146 = arith.constant 3072 : i32
    %dma_start3A_147 = tpu.memref_slice %arg9[%dma_start3A_146] : memref<6400xf32, #tpu.memory_space<vmem>> -> memref<128xf32, #tpu.memory_space<vmem>>
    %dma_start3A_148 = arith.constant 3072 : i32
    %dma_start3A_149 = tpu.memref_slice %arg7[%dma_start3A_148] : memref<6400xi32, #tpu.memory_space<vmem>> -> memref<128xi32, #tpu.memory_space<vmem>>
    %dma_start3A_150 = arith.constant 0 : i32
    %dma_start3A_151 = tpu.memref_slice %arg4[%dma_start3A_150] : memref<100000xf32, #tpu.memory_space<hbm>> -> memref<100000xf32, #tpu.memory_space<hbm>>
    tpu.enqueue_indirect_dma source(%dma_start3A_151 : memref<100000xf32, #tpu.memory_space<hbm>>) target(%dma_start3A_147 : memref<128xf32, #tpu.memory_space<vmem>>) offsets(%dma_start3A_149 : memref<128xi32, #tpu.memory_space<vmem>>) semaphore(%arg12 : memref<!tpu.dma_semaphore, #tpu.memory_space<semaphore_mem>>)
    %dma_start3A_152 = arith.constant 3200 : i32
    %dma_start3A_153 = tpu.memref_slice %arg9[%dma_start3A_152] : memref<6400xf32, #tpu.memory_space<vmem>> -> memref<128xf32, #tpu.memory_space<vmem>>
    %dma_start3A_154 = arith.constant 3200 : i32
    %dma_start3A_155 = tpu.memref_slice %arg7[%dma_start3A_154] : memref<6400xi32, #tpu.memory_space<vmem>> -> memref<128xi32, #tpu.memory_space<vmem>>
    %dma_start3A_156 = arith.constant 0 : i32
    %dma_start3A_157 = tpu.memref_slice %arg4[%dma_start3A_156] : memref<100000xf32, #tpu.memory_space<hbm>> -> memref<100000xf32, #tpu.memory_space<hbm>>
    tpu.enqueue_indirect_dma source(%dma_start3A_157 : memref<100000xf32, #tpu.memory_space<hbm>>) target(%dma_start3A_153 : memref<128xf32, #tpu.memory_space<vmem>>) offsets(%dma_start3A_155 : memref<128xi32, #tpu.memory_space<vmem>>) semaphore(%arg12 : memref<!tpu.dma_semaphore, #tpu.memory_space<semaphore_mem>>)
    %dma_start3A_158 = arith.constant 3328 : i32
    %dma_start3A_159 = tpu.memref_slice %arg9[%dma_start3A_158] : memref<6400xf32, #tpu.memory_space<vmem>> -> memref<128xf32, #tpu.memory_space<vmem>>
    %dma_start3A_160 = arith.constant 3328 : i32
    %dma_start3A_161 = tpu.memref_slice %arg7[%dma_start3A_160] : memref<6400xi32, #tpu.memory_space<vmem>> -> memref<128xi32, #tpu.memory_space<vmem>>
    %dma_start3A_162 = arith.constant 0 : i32
    %dma_start3A_163 = tpu.memref_slice %arg4[%dma_start3A_162] : memref<100000xf32, #tpu.memory_space<hbm>> -> memref<100000xf32, #tpu.memory_space<hbm>>
    tpu.enqueue_indirect_dma source(%dma_start3A_163 : memref<100000xf32, #tpu.memory_space<hbm>>) target(%dma_start3A_159 : memref<128xf32, #tpu.memory_space<vmem>>) offsets(%dma_start3A_161 : memref<128xi32, #tpu.memory_space<vmem>>) semaphore(%arg12 : memref<!tpu.dma_semaphore, #tpu.memory_space<semaphore_mem>>)
    %dma_start3A_164 = arith.constant 3456 : i32
    %dma_start3A_165 = tpu.memref_slice %arg9[%dma_start3A_164] : memref<6400xf32, #tpu.memory_space<vmem>> -> memref<128xf32, #tpu.memory_space<vmem>>
    %dma_start3A_166 = arith.constant 3456 : i32
    %dma_start3A_167 = tpu.memref_slice %arg7[%dma_start3A_166] : memref<6400xi32, #tpu.memory_space<vmem>> -> memref<128xi32, #tpu.memory_space<vmem>>
    %dma_start3A_168 = arith.constant 0 : i32
    %dma_start3A_169 = tpu.memref_slice %arg4[%dma_start3A_168] : memref<100000xf32, #tpu.memory_space<hbm>> -> memref<100000xf32, #tpu.memory_space<hbm>>
    tpu.enqueue_indirect_dma source(%dma_start3A_169 : memref<100000xf32, #tpu.memory_space<hbm>>) target(%dma_start3A_165 : memref<128xf32, #tpu.memory_space<vmem>>) offsets(%dma_start3A_167 : memref<128xi32, #tpu.memory_space<vmem>>) semaphore(%arg12 : memref<!tpu.dma_semaphore, #tpu.memory_space<semaphore_mem>>)
    %dma_start3A_170 = arith.constant 3584 : i32
    %dma_start3A_171 = tpu.memref_slice %arg9[%dma_start3A_170] : memref<6400xf32, #tpu.memory_space<vmem>> -> memref<128xf32, #tpu.memory_space<vmem>>
    %dma_start3A_172 = arith.constant 3584 : i32
    %dma_start3A_173 = tpu.memref_slice %arg7[%dma_start3A_172] : memref<6400xi32, #tpu.memory_space<vmem>> -> memref<128xi32, #tpu.memory_space<vmem>>
    %dma_start3A_174 = arith.constant 0 : i32
    %dma_start3A_175 = tpu.memref_slice %arg4[%dma_start3A_174] : memref<100000xf32, #tpu.memory_space<hbm>> -> memref<100000xf32, #tpu.memory_space<hbm>>
    tpu.enqueue_indirect_dma source(%dma_start3A_175 : memref<100000xf32, #tpu.memory_space<hbm>>) target(%dma_start3A_171 : memref<128xf32, #tpu.memory_space<vmem>>) offsets(%dma_start3A_173 : memref<128xi32, #tpu.memory_space<vmem>>) semaphore(%arg12 : memref<!tpu.dma_semaphore, #tpu.memory_space<semaphore_mem>>)
    %dma_start3A_176 = arith.constant 3712 : i32
    %dma_start3A_177 = tpu.memref_slice %arg9[%dma_start3A_176] : memref<6400xf32, #tpu.memory_space<vmem>> -> memref<128xf32, #tpu.memory_space<vmem>>
    %dma_start3A_178 = arith.constant 3712 : i32
    %dma_start3A_179 = tpu.memref_slice %arg7[%dma_start3A_178] : memref<6400xi32, #tpu.memory_space<vmem>> -> memref<128xi32, #tpu.memory_space<vmem>>
    %dma_start3A_180 = arith.constant 0 : i32
    %dma_start3A_181 = tpu.memref_slice %arg4[%dma_start3A_180] : memref<100000xf32, #tpu.memory_space<hbm>> -> memref<100000xf32, #tpu.memory_space<hbm>>
    tpu.enqueue_indirect_dma source(%dma_start3A_181 : memref<100000xf32, #tpu.memory_space<hbm>>) target(%dma_start3A_177 : memref<128xf32, #tpu.memory_space<vmem>>) offsets(%dma_start3A_179 : memref<128xi32, #tpu.memory_space<vmem>>) semaphore(%arg12 : memref<!tpu.dma_semaphore, #tpu.memory_space<semaphore_mem>>)
    %dma_start3A_182 = arith.constant 3840 : i32
    %dma_start3A_183 = tpu.memref_slice %arg9[%dma_start3A_182] : memref<6400xf32, #tpu.memory_space<vmem>> -> memref<128xf32, #tpu.memory_space<vmem>>
    %dma_start3A_184 = arith.constant 3840 : i32
    %dma_start3A_185 = tpu.memref_slice %arg7[%dma_start3A_184] : memref<6400xi32, #tpu.memory_space<vmem>> -> memref<128xi32, #tpu.memory_space<vmem>>
    %dma_start3A_186 = arith.constant 0 : i32
    %dma_start3A_187 = tpu.memref_slice %arg4[%dma_start3A_186] : memref<100000xf32, #tpu.memory_space<hbm>> -> memref<100000xf32, #tpu.memory_space<hbm>>
    tpu.enqueue_indirect_dma source(%dma_start3A_187 : memref<100000xf32, #tpu.memory_space<hbm>>) target(%dma_start3A_183 : memref<128xf32, #tpu.memory_space<vmem>>) offsets(%dma_start3A_185 : memref<128xi32, #tpu.memory_space<vmem>>) semaphore(%arg12 : memref<!tpu.dma_semaphore, #tpu.memory_space<semaphore_mem>>)
    %dma_start3A_188 = arith.constant 3968 : i32
    %dma_start3A_189 = tpu.memref_slice %arg9[%dma_start3A_188] : memref<6400xf32, #tpu.memory_space<vmem>> -> memref<128xf32, #tpu.memory_space<vmem>>
    %dma_start3A_190 = arith.constant 3968 : i32
    %dma_start3A_191 = tpu.memref_slice %arg7[%dma_start3A_190] : memref<6400xi32, #tpu.memory_space<vmem>> -> memref<128xi32, #tpu.memory_space<vmem>>
    %dma_start3A_192 = arith.constant 0 : i32
    %dma_start3A_193 = tpu.memref_slice %arg4[%dma_start3A_192] : memref<100000xf32, #tpu.memory_space<hbm>> -> memref<100000xf32, #tpu.memory_space<hbm>>
    tpu.enqueue_indirect_dma source(%dma_start3A_193 : memref<100000xf32, #tpu.memory_space<hbm>>) target(%dma_start3A_189 : memref<128xf32, #tpu.memory_space<vmem>>) offsets(%dma_start3A_191 : memref<128xi32, #tpu.memory_space<vmem>>) semaphore(%arg12 : memref<!tpu.dma_semaphore, #tpu.memory_space<semaphore_mem>>)
    %dma_start3A_194 = arith.constant 4096 : i32
    %dma_start3A_195 = tpu.memref_slice %arg9[%dma_start3A_194] : memref<6400xf32, #tpu.memory_space<vmem>> -> memref<128xf32, #tpu.memory_space<vmem>>
    %dma_start3A_196 = arith.constant 4096 : i32
    %dma_start3A_197 = tpu.memref_slice %arg7[%dma_start3A_196] : memref<6400xi32, #tpu.memory_space<vmem>> -> memref<128xi32, #tpu.memory_space<vmem>>
    %dma_start3A_198 = arith.constant 0 : i32
    %dma_start3A_199 = tpu.memref_slice %arg4[%dma_start3A_198] : memref<100000xf32, #tpu.memory_space<hbm>> -> memref<100000xf32, #tpu.memory_space<hbm>>
    tpu.enqueue_indirect_dma source(%dma_start3A_199 : memref<100000xf32, #tpu.memory_space<hbm>>) target(%dma_start3A_195 : memref<128xf32, #tpu.memory_space<vmem>>) offsets(%dma_start3A_197 : memref<128xi32, #tpu.memory_space<vmem>>) semaphore(%arg12 : memref<!tpu.dma_semaphore, #tpu.memory_space<semaphore_mem>>)
    %dma_start3A_200 = arith.constant 4224 : i32
    %dma_start3A_201 = tpu.memref_slice %arg9[%dma_start3A_200] : memref<6400xf32, #tpu.memory_space<vmem>> -> memref<128xf32, #tpu.memory_space<vmem>>
    %dma_start3A_202 = arith.constant 4224 : i32
    %dma_start3A_203 = tpu.memref_slice %arg7[%dma_start3A_202] : memref<6400xi32, #tpu.memory_space<vmem>> -> memref<128xi32, #tpu.memory_space<vmem>>
    %dma_start3A_204 = arith.constant 0 : i32
    %dma_start3A_205 = tpu.memref_slice %arg4[%dma_start3A_204] : memref<100000xf32, #tpu.memory_space<hbm>> -> memref<100000xf32, #tpu.memory_space<hbm>>
    tpu.enqueue_indirect_dma source(%dma_start3A_205 : memref<100000xf32, #tpu.memory_space<hbm>>) target(%dma_start3A_201 : memref<128xf32, #tpu.memory_space<vmem>>) offsets(%dma_start3A_203 : memref<128xi32, #tpu.memory_space<vmem>>) semaphore(%arg12 : memref<!tpu.dma_semaphore, #tpu.memory_space<semaphore_mem>>)
    %dma_start3A_206 = arith.constant 4352 : i32
    %dma_start3A_207 = tpu.memref_slice %arg9[%dma_start3A_206] : memref<6400xf32, #tpu.memory_space<vmem>> -> memref<128xf32, #tpu.memory_space<vmem>>
    %dma_start3A_208 = arith.constant 4352 : i32
    %dma_start3A_209 = tpu.memref_slice %arg7[%dma_start3A_208] : memref<6400xi32, #tpu.memory_space<vmem>> -> memref<128xi32, #tpu.memory_space<vmem>>
    %dma_start3A_210 = arith.constant 0 : i32
    %dma_start3A_211 = tpu.memref_slice %arg4[%dma_start3A_210] : memref<100000xf32, #tpu.memory_space<hbm>> -> memref<100000xf32, #tpu.memory_space<hbm>>
    tpu.enqueue_indirect_dma source(%dma_start3A_211 : memref<100000xf32, #tpu.memory_space<hbm>>) target(%dma_start3A_207 : memref<128xf32, #tpu.memory_space<vmem>>) offsets(%dma_start3A_209 : memref<128xi32, #tpu.memory_space<vmem>>) semaphore(%arg12 : memref<!tpu.dma_semaphore, #tpu.memory_space<semaphore_mem>>)
    %dma_start3A_212 = arith.constant 4480 : i32
    %dma_start3A_213 = tpu.memref_slice %arg9[%dma_start3A_212] : memref<6400xf32, #tpu.memory_space<vmem>> -> memref<128xf32, #tpu.memory_space<vmem>>
    %dma_start3A_214 = arith.constant 4480 : i32
    %dma_start3A_215 = tpu.memref_slice %arg7[%dma_start3A_214] : memref<6400xi32, #tpu.memory_space<vmem>> -> memref<128xi32, #tpu.memory_space<vmem>>
    %dma_start3A_216 = arith.constant 0 : i32
    %dma_start3A_217 = tpu.memref_slice %arg4[%dma_start3A_216] : memref<100000xf32, #tpu.memory_space<hbm>> -> memref<100000xf32, #tpu.memory_space<hbm>>
    tpu.enqueue_indirect_dma source(%dma_start3A_217 : memref<100000xf32, #tpu.memory_space<hbm>>) target(%dma_start3A_213 : memref<128xf32, #tpu.memory_space<vmem>>) offsets(%dma_start3A_215 : memref<128xi32, #tpu.memory_space<vmem>>) semaphore(%arg12 : memref<!tpu.dma_semaphore, #tpu.memory_space<semaphore_mem>>)
    %dma_start3A_218 = arith.constant 4608 : i32
    %dma_start3A_219 = tpu.memref_slice %arg9[%dma_start3A_218] : memref<6400xf32, #tpu.memory_space<vmem>> -> memref<128xf32, #tpu.memory_space<vmem>>
    %dma_start3A_220 = arith.constant 4608 : i32
    %dma_start3A_221 = tpu.memref_slice %arg7[%dma_start3A_220] : memref<6400xi32, #tpu.memory_space<vmem>> -> memref<128xi32, #tpu.memory_space<vmem>>
    %dma_start3A_222 = arith.constant 0 : i32
    %dma_start3A_223 = tpu.memref_slice %arg4[%dma_start3A_222] : memref<100000xf32, #tpu.memory_space<hbm>> -> memref<100000xf32, #tpu.memory_space<hbm>>
    tpu.enqueue_indirect_dma source(%dma_start3A_223 : memref<100000xf32, #tpu.memory_space<hbm>>) target(%dma_start3A_219 : memref<128xf32, #tpu.memory_space<vmem>>) offsets(%dma_start3A_221 : memref<128xi32, #tpu.memory_space<vmem>>) semaphore(%arg12 : memref<!tpu.dma_semaphore, #tpu.memory_space<semaphore_mem>>)
    %dma_start3A_224 = arith.constant 4736 : i32
    %dma_start3A_225 = tpu.memref_slice %arg9[%dma_start3A_224] : memref<6400xf32, #tpu.memory_space<vmem>> -> memref<128xf32, #tpu.memory_space<vmem>>
    %dma_start3A_226 = arith.constant 4736 : i32
    %dma_start3A_227 = tpu.memref_slice %arg7[%dma_start3A_226] : memref<6400xi32, #tpu.memory_space<vmem>> -> memref<128xi32, #tpu.memory_space<vmem>>
    %dma_start3A_228 = arith.constant 0 : i32
    %dma_start3A_229 = tpu.memref_slice %arg4[%dma_start3A_228] : memref<100000xf32, #tpu.memory_space<hbm>> -> memref<100000xf32, #tpu.memory_space<hbm>>
    tpu.enqueue_indirect_dma source(%dma_start3A_229 : memref<100000xf32, #tpu.memory_space<hbm>>) target(%dma_start3A_225 : memref<128xf32, #tpu.memory_space<vmem>>) offsets(%dma_start3A_227 : memref<128xi32, #tpu.memory_space<vmem>>) semaphore(%arg12 : memref<!tpu.dma_semaphore, #tpu.memory_space<semaphore_mem>>)
    %dma_start3A_230 = arith.constant 4864 : i32
    %dma_start3A_231 = tpu.memref_slice %arg9[%dma_start3A_230] : memref<6400xf32, #tpu.memory_space<vmem>> -> memref<128xf32, #tpu.memory_space<vmem>>
    %dma_start3A_232 = arith.constant 4864 : i32
    %dma_start3A_233 = tpu.memref_slice %arg7[%dma_start3A_232] : memref<6400xi32, #tpu.memory_space<vmem>> -> memref<128xi32, #tpu.memory_space<vmem>>
    %dma_start3A_234 = arith.constant 0 : i32
    %dma_start3A_235 = tpu.memref_slice %arg4[%dma_start3A_234] : memref<100000xf32, #tpu.memory_space<hbm>> -> memref<100000xf32, #tpu.memory_space<hbm>>
    tpu.enqueue_indirect_dma source(%dma_start3A_235 : memref<100000xf32, #tpu.memory_space<hbm>>) target(%dma_start3A_231 : memref<128xf32, #tpu.memory_space<vmem>>) offsets(%dma_start3A_233 : memref<128xi32, #tpu.memory_space<vmem>>) semaphore(%arg12 : memref<!tpu.dma_semaphore, #tpu.memory_space<semaphore_mem>>)
    %dma_start3A_236 = arith.constant 4992 : i32
    %dma_start3A_237 = tpu.memref_slice %arg9[%dma_start3A_236] : memref<6400xf32, #tpu.memory_space<vmem>> -> memref<128xf32, #tpu.memory_space<vmem>>
    %dma_start3A_238 = arith.constant 4992 : i32
    %dma_start3A_239 = tpu.memref_slice %arg7[%dma_start3A_238] : memref<6400xi32, #tpu.memory_space<vmem>> -> memref<128xi32, #tpu.memory_space<vmem>>
    %dma_start3A_240 = arith.constant 0 : i32
    %dma_start3A_241 = tpu.memref_slice %arg4[%dma_start3A_240] : memref<100000xf32, #tpu.memory_space<hbm>> -> memref<100000xf32, #tpu.memory_space<hbm>>
    tpu.enqueue_indirect_dma source(%dma_start3A_241 : memref<100000xf32, #tpu.memory_space<hbm>>) target(%dma_start3A_237 : memref<128xf32, #tpu.memory_space<vmem>>) offsets(%dma_start3A_239 : memref<128xi32, #tpu.memory_space<vmem>>) semaphore(%arg12 : memref<!tpu.dma_semaphore, #tpu.memory_space<semaphore_mem>>)
    %dma_start3A_242 = arith.constant 5120 : i32
    %dma_start3A_243 = tpu.memref_slice %arg9[%dma_start3A_242] : memref<6400xf32, #tpu.memory_space<vmem>> -> memref<128xf32, #tpu.memory_space<vmem>>
    %dma_start3A_244 = arith.constant 5120 : i32
    %dma_start3A_245 = tpu.memref_slice %arg7[%dma_start3A_244] : memref<6400xi32, #tpu.memory_space<vmem>> -> memref<128xi32, #tpu.memory_space<vmem>>
    %dma_start3A_246 = arith.constant 0 : i32
    %dma_start3A_247 = tpu.memref_slice %arg4[%dma_start3A_246] : memref<100000xf32, #tpu.memory_space<hbm>> -> memref<100000xf32, #tpu.memory_space<hbm>>
    tpu.enqueue_indirect_dma source(%dma_start3A_247 : memref<100000xf32, #tpu.memory_space<hbm>>) target(%dma_start3A_243 : memref<128xf32, #tpu.memory_space<vmem>>) offsets(%dma_start3A_245 : memref<128xi32, #tpu.memory_space<vmem>>) semaphore(%arg12 : memref<!tpu.dma_semaphore, #tpu.memory_space<semaphore_mem>>)
    %dma_start3A_248 = arith.constant 5248 : i32
    %dma_start3A_249 = tpu.memref_slice %arg9[%dma_start3A_248] : memref<6400xf32, #tpu.memory_space<vmem>> -> memref<128xf32, #tpu.memory_space<vmem>>
    %dma_start3A_250 = arith.constant 5248 : i32
    %dma_start3A_251 = tpu.memref_slice %arg7[%dma_start3A_250] : memref<6400xi32, #tpu.memory_space<vmem>> -> memref<128xi32, #tpu.memory_space<vmem>>
    %dma_start3A_252 = arith.constant 0 : i32
    %dma_start3A_253 = tpu.memref_slice %arg4[%dma_start3A_252] : memref<100000xf32, #tpu.memory_space<hbm>> -> memref<100000xf32, #tpu.memory_space<hbm>>
    tpu.enqueue_indirect_dma source(%dma_start3A_253 : memref<100000xf32, #tpu.memory_space<hbm>>) target(%dma_start3A_249 : memref<128xf32, #tpu.memory_space<vmem>>) offsets(%dma_start3A_251 : memref<128xi32, #tpu.memory_space<vmem>>) semaphore(%arg12 : memref<!tpu.dma_semaphore, #tpu.memory_space<semaphore_mem>>)
    %dma_start3A_254 = arith.constant 5376 : i32
    %dma_start3A_255 = tpu.memref_slice %arg9[%dma_start3A_254] : memref<6400xf32, #tpu.memory_space<vmem>> -> memref<128xf32, #tpu.memory_space<vmem>>
    %dma_start3A_256 = arith.constant 5376 : i32
    %dma_start3A_257 = tpu.memref_slice %arg7[%dma_start3A_256] : memref<6400xi32, #tpu.memory_space<vmem>> -> memref<128xi32, #tpu.memory_space<vmem>>
    %dma_start3A_258 = arith.constant 0 : i32
    %dma_start3A_259 = tpu.memref_slice %arg4[%dma_start3A_258] : memref<100000xf32, #tpu.memory_space<hbm>> -> memref<100000xf32, #tpu.memory_space<hbm>>
    tpu.enqueue_indirect_dma source(%dma_start3A_259 : memref<100000xf32, #tpu.memory_space<hbm>>) target(%dma_start3A_255 : memref<128xf32, #tpu.memory_space<vmem>>) offsets(%dma_start3A_257 : memref<128xi32, #tpu.memory_space<vmem>>) semaphore(%arg12 : memref<!tpu.dma_semaphore, #tpu.memory_space<semaphore_mem>>)
    %dma_start3A_260 = arith.constant 5504 : i32
    %dma_start3A_261 = tpu.memref_slice %arg9[%dma_start3A_260] : memref<6400xf32, #tpu.memory_space<vmem>> -> memref<128xf32, #tpu.memory_space<vmem>>
    %dma_start3A_262 = arith.constant 5504 : i32
    %dma_start3A_263 = tpu.memref_slice %arg7[%dma_start3A_262] : memref<6400xi32, #tpu.memory_space<vmem>> -> memref<128xi32, #tpu.memory_space<vmem>>
    %dma_start3A_264 = arith.constant 0 : i32
    %dma_start3A_265 = tpu.memref_slice %arg4[%dma_start3A_264] : memref<100000xf32, #tpu.memory_space<hbm>> -> memref<100000xf32, #tpu.memory_space<hbm>>
    tpu.enqueue_indirect_dma source(%dma_start3A_265 : memref<100000xf32, #tpu.memory_space<hbm>>) target(%dma_start3A_261 : memref<128xf32, #tpu.memory_space<vmem>>) offsets(%dma_start3A_263 : memref<128xi32, #tpu.memory_space<vmem>>) semaphore(%arg12 : memref<!tpu.dma_semaphore, #tpu.memory_space<semaphore_mem>>)
    %dma_start3A_266 = arith.constant 5632 : i32
    %dma_start3A_267 = tpu.memref_slice %arg9[%dma_start3A_266] : memref<6400xf32, #tpu.memory_space<vmem>> -> memref<128xf32, #tpu.memory_space<vmem>>
    %dma_start3A_268 = arith.constant 5632 : i32
    %dma_start3A_269 = tpu.memref_slice %arg7[%dma_start3A_268] : memref<6400xi32, #tpu.memory_space<vmem>> -> memref<128xi32, #tpu.memory_space<vmem>>
    %dma_start3A_270 = arith.constant 0 : i32
    %dma_start3A_271 = tpu.memref_slice %arg4[%dma_start3A_270] : memref<100000xf32, #tpu.memory_space<hbm>> -> memref<100000xf32, #tpu.memory_space<hbm>>
    tpu.enqueue_indirect_dma source(%dma_start3A_271 : memref<100000xf32, #tpu.memory_space<hbm>>) target(%dma_start3A_267 : memref<128xf32, #tpu.memory_space<vmem>>) offsets(%dma_start3A_269 : memref<128xi32, #tpu.memory_space<vmem>>) semaphore(%arg12 : memref<!tpu.dma_semaphore, #tpu.memory_space<semaphore_mem>>)
    %dma_start3A_272 = arith.constant 5760 : i32
    %dma_start3A_273 = tpu.memref_slice %arg9[%dma_start3A_272] : memref<6400xf32, #tpu.memory_space<vmem>> -> memref<128xf32, #tpu.memory_space<vmem>>
    %dma_start3A_274 = arith.constant 5760 : i32
    %dma_start3A_275 = tpu.memref_slice %arg7[%dma_start3A_274] : memref<6400xi32, #tpu.memory_space<vmem>> -> memref<128xi32, #tpu.memory_space<vmem>>
    %dma_start3A_276 = arith.constant 0 : i32
    %dma_start3A_277 = tpu.memref_slice %arg4[%dma_start3A_276] : memref<100000xf32, #tpu.memory_space<hbm>> -> memref<100000xf32, #tpu.memory_space<hbm>>
    tpu.enqueue_indirect_dma source(%dma_start3A_277 : memref<100000xf32, #tpu.memory_space<hbm>>) target(%dma_start3A_273 : memref<128xf32, #tpu.memory_space<vmem>>) offsets(%dma_start3A_275 : memref<128xi32, #tpu.memory_space<vmem>>) semaphore(%arg12 : memref<!tpu.dma_semaphore, #tpu.memory_space<semaphore_mem>>)
    %dma_start3A_278 = arith.constant 5888 : i32
    %dma_start3A_279 = tpu.memref_slice %arg9[%dma_start3A_278] : memref<6400xf32, #tpu.memory_space<vmem>> -> memref<128xf32, #tpu.memory_space<vmem>>
    %dma_start3A_280 = arith.constant 5888 : i32
    %dma_start3A_281 = tpu.memref_slice %arg7[%dma_start3A_280] : memref<6400xi32, #tpu.memory_space<vmem>> -> memref<128xi32, #tpu.memory_space<vmem>>
    %dma_start3A_282 = arith.constant 0 : i32
    %dma_start3A_283 = tpu.memref_slice %arg4[%dma_start3A_282] : memref<100000xf32, #tpu.memory_space<hbm>> -> memref<100000xf32, #tpu.memory_space<hbm>>
    tpu.enqueue_indirect_dma source(%dma_start3A_283 : memref<100000xf32, #tpu.memory_space<hbm>>) target(%dma_start3A_279 : memref<128xf32, #tpu.memory_space<vmem>>) offsets(%dma_start3A_281 : memref<128xi32, #tpu.memory_space<vmem>>) semaphore(%arg12 : memref<!tpu.dma_semaphore, #tpu.memory_space<semaphore_mem>>)
    %dma_start3A_284 = arith.constant 6016 : i32
    %dma_start3A_285 = tpu.memref_slice %arg9[%dma_start3A_284] : memref<6400xf32, #tpu.memory_space<vmem>> -> memref<128xf32, #tpu.memory_space<vmem>>
    %dma_start3A_286 = arith.constant 6016 : i32
    %dma_start3A_287 = tpu.memref_slice %arg7[%dma_start3A_286] : memref<6400xi32, #tpu.memory_space<vmem>> -> memref<128xi32, #tpu.memory_space<vmem>>
    %dma_start3A_288 = arith.constant 0 : i32
    %dma_start3A_289 = tpu.memref_slice %arg4[%dma_start3A_288] : memref<100000xf32, #tpu.memory_space<hbm>> -> memref<100000xf32, #tpu.memory_space<hbm>>
    tpu.enqueue_indirect_dma source(%dma_start3A_289 : memref<100000xf32, #tpu.memory_space<hbm>>) target(%dma_start3A_285 : memref<128xf32, #tpu.memory_space<vmem>>) offsets(%dma_start3A_287 : memref<128xi32, #tpu.memory_space<vmem>>) semaphore(%arg12 : memref<!tpu.dma_semaphore, #tpu.memory_space<semaphore_mem>>)
    %dma_start3A_290 = arith.constant 6144 : i32
    %dma_start3A_291 = tpu.memref_slice %arg9[%dma_start3A_290] : memref<6400xf32, #tpu.memory_space<vmem>> -> memref<128xf32, #tpu.memory_space<vmem>>
    %dma_start3A_292 = arith.constant 6144 : i32
    %dma_start3A_293 = tpu.memref_slice %arg7[%dma_start3A_292] : memref<6400xi32, #tpu.memory_space<vmem>> -> memref<128xi32, #tpu.memory_space<vmem>>
    %dma_start3A_294 = arith.constant 0 : i32
    %dma_start3A_295 = tpu.memref_slice %arg4[%dma_start3A_294] : memref<100000xf32, #tpu.memory_space<hbm>> -> memref<100000xf32, #tpu.memory_space<hbm>>
    tpu.enqueue_indirect_dma source(%dma_start3A_295 : memref<100000xf32, #tpu.memory_space<hbm>>) target(%dma_start3A_291 : memref<128xf32, #tpu.memory_space<vmem>>) offsets(%dma_start3A_293 : memref<128xi32, #tpu.memory_space<vmem>>) semaphore(%arg12 : memref<!tpu.dma_semaphore, #tpu.memory_space<semaphore_mem>>)
    %dma_start3A_296 = arith.constant 6272 : i32
    %dma_start3A_297 = tpu.memref_slice %arg9[%dma_start3A_296] : memref<6400xf32, #tpu.memory_space<vmem>> -> memref<128xf32, #tpu.memory_space<vmem>>
    %dma_start3A_298 = arith.constant 6272 : i32
    %dma_start3A_299 = tpu.memref_slice %arg7[%dma_start3A_298] : memref<6400xi32, #tpu.memory_space<vmem>> -> memref<128xi32, #tpu.memory_space<vmem>>
    %dma_start3A_300 = arith.constant 0 : i32
    %dma_start3A_301 = tpu.memref_slice %arg4[%dma_start3A_300] : memref<100000xf32, #tpu.memory_space<hbm>> -> memref<100000xf32, #tpu.memory_space<hbm>>
    tpu.enqueue_indirect_dma source(%dma_start3A_301 : memref<100000xf32, #tpu.memory_space<hbm>>) target(%dma_start3A_297 : memref<128xf32, #tpu.memory_space<vmem>>) offsets(%dma_start3A_299 : memref<128xi32, #tpu.memory_space<vmem>>) semaphore(%arg12 : memref<!tpu.dma_semaphore, #tpu.memory_space<semaphore_mem>>)
    %dma_start3A_302 = arith.constant 0 : i32
    %dma_start3A_303 = tpu.memref_slice %arg5[%dma_start3A_302] : memref<100000xf32, #tpu.memory_space<hbm>> -> memref<100000xf32, #tpu.memory_space<hbm>>
    tpu.enqueue_indirect_dma source(%dma_start3A_303 : memref<100000xf32, #tpu.memory_space<hbm>>) target(%arg10 : memref<128xf32, #tpu.memory_space<vmem>>) offsets(%arg8 : memref<128xi32, #tpu.memory_space<vmem>>) semaphore(%arg12 : memref<!tpu.dma_semaphore, #tpu.memory_space<semaphore_mem>>)
    %dma_wait3A = arith.constant 0 : i32
    %dma_wait3A_304 = tpu.memref_slice %arg9[%dma_wait3A] : memref<6400xf32, #tpu.memory_space<vmem>> -> memref<128xf32, #tpu.memory_space<vmem>>
    %dma_wait3A_305 = arith.constant 0 : i32
    %dma_wait3A_306 = tpu.memref_slice %arg7[%dma_wait3A_305] : memref<6400xi32, #tpu.memory_space<vmem>> -> memref<128xi32, #tpu.memory_space<vmem>>
    %dma_wait3A_307 = arith.constant 0 : i32
    %dma_wait3A_308 = tpu.memref_slice %arg4[%dma_wait3A_307] : memref<100000xf32, #tpu.memory_space<hbm>> -> memref<100000xf32, #tpu.memory_space<hbm>>
    tpu.wait_indirect_dma semaphore(%arg12 : memref<!tpu.dma_semaphore, #tpu.memory_space<semaphore_mem>>) src(%dma_wait3A_308 : memref<100000xf32, #tpu.memory_space<hbm>>) dst(%dma_wait3A_304 : memref<128xf32, #tpu.memory_space<vmem>>)
    %dma_wait3A_309 = arith.constant 128 : i32
    %dma_wait3A_310 = tpu.memref_slice %arg9[%dma_wait3A_309] : memref<6400xf32, #tpu.memory_space<vmem>> -> memref<128xf32, #tpu.memory_space<vmem>>
    %dma_wait3A_311 = arith.constant 128 : i32
    %dma_wait3A_312 = tpu.memref_slice %arg7[%dma_wait3A_311] : memref<6400xi32, #tpu.memory_space<vmem>> -> memref<128xi32, #tpu.memory_space<vmem>>
    %dma_wait3A_313 = arith.constant 0 : i32
    %dma_wait3A_314 = tpu.memref_slice %arg4[%dma_wait3A_313] : memref<100000xf32, #tpu.memory_space<hbm>> -> memref<100000xf32, #tpu.memory_space<hbm>>
    tpu.wait_indirect_dma semaphore(%arg12 : memref<!tpu.dma_semaphore, #tpu.memory_space<semaphore_mem>>) src(%dma_wait3A_314 : memref<100000xf32, #tpu.memory_space<hbm>>) dst(%dma_wait3A_310 : memref<128xf32, #tpu.memory_space<vmem>>)
    %dma_wait3A_315 = arith.constant 256 : i32
    %dma_wait3A_316 = tpu.memref_slice %arg9[%dma_wait3A_315] : memref<6400xf32, #tpu.memory_space<vmem>> -> memref<128xf32, #tpu.memory_space<vmem>>
    %dma_wait3A_317 = arith.constant 256 : i32
    %dma_wait3A_318 = tpu.memref_slice %arg7[%dma_wait3A_317] : memref<6400xi32, #tpu.memory_space<vmem>> -> memref<128xi32, #tpu.memory_space<vmem>>
    %dma_wait3A_319 = arith.constant 0 : i32
    %dma_wait3A_320 = tpu.memref_slice %arg4[%dma_wait3A_319] : memref<100000xf32, #tpu.memory_space<hbm>> -> memref<100000xf32, #tpu.memory_space<hbm>>
    tpu.wait_indirect_dma semaphore(%arg12 : memref<!tpu.dma_semaphore, #tpu.memory_space<semaphore_mem>>) src(%dma_wait3A_320 : memref<100000xf32, #tpu.memory_space<hbm>>) dst(%dma_wait3A_316 : memref<128xf32, #tpu.memory_space<vmem>>)
    %dma_wait3A_321 = arith.constant 384 : i32
    %dma_wait3A_322 = tpu.memref_slice %arg9[%dma_wait3A_321] : memref<6400xf32, #tpu.memory_space<vmem>> -> memref<128xf32, #tpu.memory_space<vmem>>
    %dma_wait3A_323 = arith.constant 384 : i32
    %dma_wait3A_324 = tpu.memref_slice %arg7[%dma_wait3A_323] : memref<6400xi32, #tpu.memory_space<vmem>> -> memref<128xi32, #tpu.memory_space<vmem>>
    %dma_wait3A_325 = arith.constant 0 : i32
    %dma_wait3A_326 = tpu.memref_slice %arg4[%dma_wait3A_325] : memref<100000xf32, #tpu.memory_space<hbm>> -> memref<100000xf32, #tpu.memory_space<hbm>>
    tpu.wait_indirect_dma semaphore(%arg12 : memref<!tpu.dma_semaphore, #tpu.memory_space<semaphore_mem>>) src(%dma_wait3A_326 : memref<100000xf32, #tpu.memory_space<hbm>>) dst(%dma_wait3A_322 : memref<128xf32, #tpu.memory_space<vmem>>)
    %dma_wait3A_327 = arith.constant 512 : i32
    %dma_wait3A_328 = tpu.memref_slice %arg9[%dma_wait3A_327] : memref<6400xf32, #tpu.memory_space<vmem>> -> memref<128xf32, #tpu.memory_space<vmem>>
    %dma_wait3A_329 = arith.constant 512 : i32
    %dma_wait3A_330 = tpu.memref_slice %arg7[%dma_wait3A_329] : memref<6400xi32, #tpu.memory_space<vmem>> -> memref<128xi32, #tpu.memory_space<vmem>>
    %dma_wait3A_331 = arith.constant 0 : i32
    %dma_wait3A_332 = tpu.memref_slice %arg4[%dma_wait3A_331] : memref<100000xf32, #tpu.memory_space<hbm>> -> memref<100000xf32, #tpu.memory_space<hbm>>
    tpu.wait_indirect_dma semaphore(%arg12 : memref<!tpu.dma_semaphore, #tpu.memory_space<semaphore_mem>>) src(%dma_wait3A_332 : memref<100000xf32, #tpu.memory_space<hbm>>) dst(%dma_wait3A_328 : memref<128xf32, #tpu.memory_space<vmem>>)
    %dma_wait3A_333 = arith.constant 640 : i32
    %dma_wait3A_334 = tpu.memref_slice %arg9[%dma_wait3A_333] : memref<6400xf32, #tpu.memory_space<vmem>> -> memref<128xf32, #tpu.memory_space<vmem>>
    %dma_wait3A_335 = arith.constant 640 : i32
    %dma_wait3A_336 = tpu.memref_slice %arg7[%dma_wait3A_335] : memref<6400xi32, #tpu.memory_space<vmem>> -> memref<128xi32, #tpu.memory_space<vmem>>
    %dma_wait3A_337 = arith.constant 0 : i32
    %dma_wait3A_338 = tpu.memref_slice %arg4[%dma_wait3A_337] : memref<100000xf32, #tpu.memory_space<hbm>> -> memref<100000xf32, #tpu.memory_space<hbm>>
    tpu.wait_indirect_dma semaphore(%arg12 : memref<!tpu.dma_semaphore, #tpu.memory_space<semaphore_mem>>) src(%dma_wait3A_338 : memref<100000xf32, #tpu.memory_space<hbm>>) dst(%dma_wait3A_334 : memref<128xf32, #tpu.memory_space<vmem>>)
    %dma_wait3A_339 = arith.constant 768 : i32
    %dma_wait3A_340 = tpu.memref_slice %arg9[%dma_wait3A_339] : memref<6400xf32, #tpu.memory_space<vmem>> -> memref<128xf32, #tpu.memory_space<vmem>>
    %dma_wait3A_341 = arith.constant 768 : i32
    %dma_wait3A_342 = tpu.memref_slice %arg7[%dma_wait3A_341] : memref<6400xi32, #tpu.memory_space<vmem>> -> memref<128xi32, #tpu.memory_space<vmem>>
    %dma_wait3A_343 = arith.constant 0 : i32
    %dma_wait3A_344 = tpu.memref_slice %arg4[%dma_wait3A_343] : memref<100000xf32, #tpu.memory_space<hbm>> -> memref<100000xf32, #tpu.memory_space<hbm>>
    tpu.wait_indirect_dma semaphore(%arg12 : memref<!tpu.dma_semaphore, #tpu.memory_space<semaphore_mem>>) src(%dma_wait3A_344 : memref<100000xf32, #tpu.memory_space<hbm>>) dst(%dma_wait3A_340 : memref<128xf32, #tpu.memory_space<vmem>>)
    %dma_wait3A_345 = arith.constant 896 : i32
    %dma_wait3A_346 = tpu.memref_slice %arg9[%dma_wait3A_345] : memref<6400xf32, #tpu.memory_space<vmem>> -> memref<128xf32, #tpu.memory_space<vmem>>
    %dma_wait3A_347 = arith.constant 896 : i32
    %dma_wait3A_348 = tpu.memref_slice %arg7[%dma_wait3A_347] : memref<6400xi32, #tpu.memory_space<vmem>> -> memref<128xi32, #tpu.memory_space<vmem>>
    %dma_wait3A_349 = arith.constant 0 : i32
    %dma_wait3A_350 = tpu.memref_slice %arg4[%dma_wait3A_349] : memref<100000xf32, #tpu.memory_space<hbm>> -> memref<100000xf32, #tpu.memory_space<hbm>>
    tpu.wait_indirect_dma semaphore(%arg12 : memref<!tpu.dma_semaphore, #tpu.memory_space<semaphore_mem>>) src(%dma_wait3A_350 : memref<100000xf32, #tpu.memory_space<hbm>>) dst(%dma_wait3A_346 : memref<128xf32, #tpu.memory_space<vmem>>)
    %dma_wait3A_351 = arith.constant 1024 : i32
    %dma_wait3A_352 = tpu.memref_slice %arg9[%dma_wait3A_351] : memref<6400xf32, #tpu.memory_space<vmem>> -> memref<128xf32, #tpu.memory_space<vmem>>
    %dma_wait3A_353 = arith.constant 1024 : i32
    %dma_wait3A_354 = tpu.memref_slice %arg7[%dma_wait3A_353] : memref<6400xi32, #tpu.memory_space<vmem>> -> memref<128xi32, #tpu.memory_space<vmem>>
    %dma_wait3A_355 = arith.constant 0 : i32
    %dma_wait3A_356 = tpu.memref_slice %arg4[%dma_wait3A_355] : memref<100000xf32, #tpu.memory_space<hbm>> -> memref<100000xf32, #tpu.memory_space<hbm>>
    tpu.wait_indirect_dma semaphore(%arg12 : memref<!tpu.dma_semaphore, #tpu.memory_space<semaphore_mem>>) src(%dma_wait3A_356 : memref<100000xf32, #tpu.memory_space<hbm>>) dst(%dma_wait3A_352 : memref<128xf32, #tpu.memory_space<vmem>>)
    %dma_wait3A_357 = arith.constant 1152 : i32
    %dma_wait3A_358 = tpu.memref_slice %arg9[%dma_wait3A_357] : memref<6400xf32, #tpu.memory_space<vmem>> -> memref<128xf32, #tpu.memory_space<vmem>>
    %dma_wait3A_359 = arith.constant 1152 : i32
    %dma_wait3A_360 = tpu.memref_slice %arg7[%dma_wait3A_359] : memref<6400xi32, #tpu.memory_space<vmem>> -> memref<128xi32, #tpu.memory_space<vmem>>
    %dma_wait3A_361 = arith.constant 0 : i32
    %dma_wait3A_362 = tpu.memref_slice %arg4[%dma_wait3A_361] : memref<100000xf32, #tpu.memory_space<hbm>> -> memref<100000xf32, #tpu.memory_space<hbm>>
    tpu.wait_indirect_dma semaphore(%arg12 : memref<!tpu.dma_semaphore, #tpu.memory_space<semaphore_mem>>) src(%dma_wait3A_362 : memref<100000xf32, #tpu.memory_space<hbm>>) dst(%dma_wait3A_358 : memref<128xf32, #tpu.memory_space<vmem>>)
    %dma_wait3A_363 = arith.constant 1280 : i32
    %dma_wait3A_364 = tpu.memref_slice %arg9[%dma_wait3A_363] : memref<6400xf32, #tpu.memory_space<vmem>> -> memref<128xf32, #tpu.memory_space<vmem>>
    %dma_wait3A_365 = arith.constant 1280 : i32
    %dma_wait3A_366 = tpu.memref_slice %arg7[%dma_wait3A_365] : memref<6400xi32, #tpu.memory_space<vmem>> -> memref<128xi32, #tpu.memory_space<vmem>>
    %dma_wait3A_367 = arith.constant 0 : i32
    %dma_wait3A_368 = tpu.memref_slice %arg4[%dma_wait3A_367] : memref<100000xf32, #tpu.memory_space<hbm>> -> memref<100000xf32, #tpu.memory_space<hbm>>
    tpu.wait_indirect_dma semaphore(%arg12 : memref<!tpu.dma_semaphore, #tpu.memory_space<semaphore_mem>>) src(%dma_wait3A_368 : memref<100000xf32, #tpu.memory_space<hbm>>) dst(%dma_wait3A_364 : memref<128xf32, #tpu.memory_space<vmem>>)
    %dma_wait3A_369 = arith.constant 1408 : i32
    %dma_wait3A_370 = tpu.memref_slice %arg9[%dma_wait3A_369] : memref<6400xf32, #tpu.memory_space<vmem>> -> memref<128xf32, #tpu.memory_space<vmem>>
    %dma_wait3A_371 = arith.constant 1408 : i32
    %dma_wait3A_372 = tpu.memref_slice %arg7[%dma_wait3A_371] : memref<6400xi32, #tpu.memory_space<vmem>> -> memref<128xi32, #tpu.memory_space<vmem>>
    %dma_wait3A_373 = arith.constant 0 : i32
    %dma_wait3A_374 = tpu.memref_slice %arg4[%dma_wait3A_373] : memref<100000xf32, #tpu.memory_space<hbm>> -> memref<100000xf32, #tpu.memory_space<hbm>>
    tpu.wait_indirect_dma semaphore(%arg12 : memref<!tpu.dma_semaphore, #tpu.memory_space<semaphore_mem>>) src(%dma_wait3A_374 : memref<100000xf32, #tpu.memory_space<hbm>>) dst(%dma_wait3A_370 : memref<128xf32, #tpu.memory_space<vmem>>)
    %dma_wait3A_375 = arith.constant 1536 : i32
    %dma_wait3A_376 = tpu.memref_slice %arg9[%dma_wait3A_375] : memref<6400xf32, #tpu.memory_space<vmem>> -> memref<128xf32, #tpu.memory_space<vmem>>
    %dma_wait3A_377 = arith.constant 1536 : i32
    %dma_wait3A_378 = tpu.memref_slice %arg7[%dma_wait3A_377] : memref<6400xi32, #tpu.memory_space<vmem>> -> memref<128xi32, #tpu.memory_space<vmem>>
    %dma_wait3A_379 = arith.constant 0 : i32
    %dma_wait3A_380 = tpu.memref_slice %arg4[%dma_wait3A_379] : memref<100000xf32, #tpu.memory_space<hbm>> -> memref<100000xf32, #tpu.memory_space<hbm>>
    tpu.wait_indirect_dma semaphore(%arg12 : memref<!tpu.dma_semaphore, #tpu.memory_space<semaphore_mem>>) src(%dma_wait3A_380 : memref<100000xf32, #tpu.memory_space<hbm>>) dst(%dma_wait3A_376 : memref<128xf32, #tpu.memory_space<vmem>>)
    %dma_wait3A_381 = arith.constant 1664 : i32
    %dma_wait3A_382 = tpu.memref_slice %arg9[%dma_wait3A_381] : memref<6400xf32, #tpu.memory_space<vmem>> -> memref<128xf32, #tpu.memory_space<vmem>>
    %dma_wait3A_383 = arith.constant 1664 : i32
    %dma_wait3A_384 = tpu.memref_slice %arg7[%dma_wait3A_383] : memref<6400xi32, #tpu.memory_space<vmem>> -> memref<128xi32, #tpu.memory_space<vmem>>
    %dma_wait3A_385 = arith.constant 0 : i32
    %dma_wait3A_386 = tpu.memref_slice %arg4[%dma_wait3A_385] : memref<100000xf32, #tpu.memory_space<hbm>> -> memref<100000xf32, #tpu.memory_space<hbm>>
    tpu.wait_indirect_dma semaphore(%arg12 : memref<!tpu.dma_semaphore, #tpu.memory_space<semaphore_mem>>) src(%dma_wait3A_386 : memref<100000xf32, #tpu.memory_space<hbm>>) dst(%dma_wait3A_382 : memref<128xf32, #tpu.memory_space<vmem>>)
    %dma_wait3A_387 = arith.constant 1792 : i32
    %dma_wait3A_388 = tpu.memref_slice %arg9[%dma_wait3A_387] : memref<6400xf32, #tpu.memory_space<vmem>> -> memref<128xf32, #tpu.memory_space<vmem>>
    %dma_wait3A_389 = arith.constant 1792 : i32
    %dma_wait3A_390 = tpu.memref_slice %arg7[%dma_wait3A_389] : memref<6400xi32, #tpu.memory_space<vmem>> -> memref<128xi32, #tpu.memory_space<vmem>>
    %dma_wait3A_391 = arith.constant 0 : i32
    %dma_wait3A_392 = tpu.memref_slice %arg4[%dma_wait3A_391] : memref<100000xf32, #tpu.memory_space<hbm>> -> memref<100000xf32, #tpu.memory_space<hbm>>
    tpu.wait_indirect_dma semaphore(%arg12 : memref<!tpu.dma_semaphore, #tpu.memory_space<semaphore_mem>>) src(%dma_wait3A_392 : memref<100000xf32, #tpu.memory_space<hbm>>) dst(%dma_wait3A_388 : memref<128xf32, #tpu.memory_space<vmem>>)
    %dma_wait3A_393 = arith.constant 1920 : i32
    %dma_wait3A_394 = tpu.memref_slice %arg9[%dma_wait3A_393] : memref<6400xf32, #tpu.memory_space<vmem>> -> memref<128xf32, #tpu.memory_space<vmem>>
    %dma_wait3A_395 = arith.constant 1920 : i32
    %dma_wait3A_396 = tpu.memref_slice %arg7[%dma_wait3A_395] : memref<6400xi32, #tpu.memory_space<vmem>> -> memref<128xi32, #tpu.memory_space<vmem>>
    %dma_wait3A_397 = arith.constant 0 : i32
    %dma_wait3A_398 = tpu.memref_slice %arg4[%dma_wait3A_397] : memref<100000xf32, #tpu.memory_space<hbm>> -> memref<100000xf32, #tpu.memory_space<hbm>>
    tpu.wait_indirect_dma semaphore(%arg12 : memref<!tpu.dma_semaphore, #tpu.memory_space<semaphore_mem>>) src(%dma_wait3A_398 : memref<100000xf32, #tpu.memory_space<hbm>>) dst(%dma_wait3A_394 : memref<128xf32, #tpu.memory_space<vmem>>)
    %dma_wait3A_399 = arith.constant 2048 : i32
    %dma_wait3A_400 = tpu.memref_slice %arg9[%dma_wait3A_399] : memref<6400xf32, #tpu.memory_space<vmem>> -> memref<128xf32, #tpu.memory_space<vmem>>
    %dma_wait3A_401 = arith.constant 2048 : i32
    %dma_wait3A_402 = tpu.memref_slice %arg7[%dma_wait3A_401] : memref<6400xi32, #tpu.memory_space<vmem>> -> memref<128xi32, #tpu.memory_space<vmem>>
    %dma_wait3A_403 = arith.constant 0 : i32
    %dma_wait3A_404 = tpu.memref_slice %arg4[%dma_wait3A_403] : memref<100000xf32, #tpu.memory_space<hbm>> -> memref<100000xf32, #tpu.memory_space<hbm>>
    tpu.wait_indirect_dma semaphore(%arg12 : memref<!tpu.dma_semaphore, #tpu.memory_space<semaphore_mem>>) src(%dma_wait3A_404 : memref<100000xf32, #tpu.memory_space<hbm>>) dst(%dma_wait3A_400 : memref<128xf32, #tpu.memory_space<vmem>>)
    %dma_wait3A_405 = arith.constant 2176 : i32
    %dma_wait3A_406 = tpu.memref_slice %arg9[%dma_wait3A_405] : memref<6400xf32, #tpu.memory_space<vmem>> -> memref<128xf32, #tpu.memory_space<vmem>>
    %dma_wait3A_407 = arith.constant 2176 : i32
    %dma_wait3A_408 = tpu.memref_slice %arg7[%dma_wait3A_407] : memref<6400xi32, #tpu.memory_space<vmem>> -> memref<128xi32, #tpu.memory_space<vmem>>
    %dma_wait3A_409 = arith.constant 0 : i32
    %dma_wait3A_410 = tpu.memref_slice %arg4[%dma_wait3A_409] : memref<100000xf32, #tpu.memory_space<hbm>> -> memref<100000xf32, #tpu.memory_space<hbm>>
    tpu.wait_indirect_dma semaphore(%arg12 : memref<!tpu.dma_semaphore, #tpu.memory_space<semaphore_mem>>) src(%dma_wait3A_410 : memref<100000xf32, #tpu.memory_space<hbm>>) dst(%dma_wait3A_406 : memref<128xf32, #tpu.memory_space<vmem>>)
    %dma_wait3A_411 = arith.constant 2304 : i32
    %dma_wait3A_412 = tpu.memref_slice %arg9[%dma_wait3A_411] : memref<6400xf32, #tpu.memory_space<vmem>> -> memref<128xf32, #tpu.memory_space<vmem>>
    %dma_wait3A_413 = arith.constant 2304 : i32
    %dma_wait3A_414 = tpu.memref_slice %arg7[%dma_wait3A_413] : memref<6400xi32, #tpu.memory_space<vmem>> -> memref<128xi32, #tpu.memory_space<vmem>>
    %dma_wait3A_415 = arith.constant 0 : i32
    %dma_wait3A_416 = tpu.memref_slice %arg4[%dma_wait3A_415] : memref<100000xf32, #tpu.memory_space<hbm>> -> memref<100000xf32, #tpu.memory_space<hbm>>
    tpu.wait_indirect_dma semaphore(%arg12 : memref<!tpu.dma_semaphore, #tpu.memory_space<semaphore_mem>>) src(%dma_wait3A_416 : memref<100000xf32, #tpu.memory_space<hbm>>) dst(%dma_wait3A_412 : memref<128xf32, #tpu.memory_space<vmem>>)
    %dma_wait3A_417 = arith.constant 2432 : i32
    %dma_wait3A_418 = tpu.memref_slice %arg9[%dma_wait3A_417] : memref<6400xf32, #tpu.memory_space<vmem>> -> memref<128xf32, #tpu.memory_space<vmem>>
    %dma_wait3A_419 = arith.constant 2432 : i32
    %dma_wait3A_420 = tpu.memref_slice %arg7[%dma_wait3A_419] : memref<6400xi32, #tpu.memory_space<vmem>> -> memref<128xi32, #tpu.memory_space<vmem>>
    %dma_wait3A_421 = arith.constant 0 : i32
    %dma_wait3A_422 = tpu.memref_slice %arg4[%dma_wait3A_421] : memref<100000xf32, #tpu.memory_space<hbm>> -> memref<100000xf32, #tpu.memory_space<hbm>>
    tpu.wait_indirect_dma semaphore(%arg12 : memref<!tpu.dma_semaphore, #tpu.memory_space<semaphore_mem>>) src(%dma_wait3A_422 : memref<100000xf32, #tpu.memory_space<hbm>>) dst(%dma_wait3A_418 : memref<128xf32, #tpu.memory_space<vmem>>)
    %dma_wait3A_423 = arith.constant 2560 : i32
    %dma_wait3A_424 = tpu.memref_slice %arg9[%dma_wait3A_423] : memref<6400xf32, #tpu.memory_space<vmem>> -> memref<128xf32, #tpu.memory_space<vmem>>
    %dma_wait3A_425 = arith.constant 2560 : i32
    %dma_wait3A_426 = tpu.memref_slice %arg7[%dma_wait3A_425] : memref<6400xi32, #tpu.memory_space<vmem>> -> memref<128xi32, #tpu.memory_space<vmem>>
    %dma_wait3A_427 = arith.constant 0 : i32
    %dma_wait3A_428 = tpu.memref_slice %arg4[%dma_wait3A_427] : memref<100000xf32, #tpu.memory_space<hbm>> -> memref<100000xf32, #tpu.memory_space<hbm>>
    tpu.wait_indirect_dma semaphore(%arg12 : memref<!tpu.dma_semaphore, #tpu.memory_space<semaphore_mem>>) src(%dma_wait3A_428 : memref<100000xf32, #tpu.memory_space<hbm>>) dst(%dma_wait3A_424 : memref<128xf32, #tpu.memory_space<vmem>>)
    %dma_wait3A_429 = arith.constant 2688 : i32
    %dma_wait3A_430 = tpu.memref_slice %arg9[%dma_wait3A_429] : memref<6400xf32, #tpu.memory_space<vmem>> -> memref<128xf32, #tpu.memory_space<vmem>>
    %dma_wait3A_431 = arith.constant 2688 : i32
    %dma_wait3A_432 = tpu.memref_slice %arg7[%dma_wait3A_431] : memref<6400xi32, #tpu.memory_space<vmem>> -> memref<128xi32, #tpu.memory_space<vmem>>
    %dma_wait3A_433 = arith.constant 0 : i32
    %dma_wait3A_434 = tpu.memref_slice %arg4[%dma_wait3A_433] : memref<100000xf32, #tpu.memory_space<hbm>> -> memref<100000xf32, #tpu.memory_space<hbm>>
    tpu.wait_indirect_dma semaphore(%arg12 : memref<!tpu.dma_semaphore, #tpu.memory_space<semaphore_mem>>) src(%dma_wait3A_434 : memref<100000xf32, #tpu.memory_space<hbm>>) dst(%dma_wait3A_430 : memref<128xf32, #tpu.memory_space<vmem>>)
    %dma_wait3A_435 = arith.constant 2816 : i32
    %dma_wait3A_436 = tpu.memref_slice %arg9[%dma_wait3A_435] : memref<6400xf32, #tpu.memory_space<vmem>> -> memref<128xf32, #tpu.memory_space<vmem>>
    %dma_wait3A_437 = arith.constant 2816 : i32
    %dma_wait3A_438 = tpu.memref_slice %arg7[%dma_wait3A_437] : memref<6400xi32, #tpu.memory_space<vmem>> -> memref<128xi32, #tpu.memory_space<vmem>>
    %dma_wait3A_439 = arith.constant 0 : i32
    %dma_wait3A_440 = tpu.memref_slice %arg4[%dma_wait3A_439] : memref<100000xf32, #tpu.memory_space<hbm>> -> memref<100000xf32, #tpu.memory_space<hbm>>
    tpu.wait_indirect_dma semaphore(%arg12 : memref<!tpu.dma_semaphore, #tpu.memory_space<semaphore_mem>>) src(%dma_wait3A_440 : memref<100000xf32, #tpu.memory_space<hbm>>) dst(%dma_wait3A_436 : memref<128xf32, #tpu.memory_space<vmem>>)
    %dma_wait3A_441 = arith.constant 2944 : i32
    %dma_wait3A_442 = tpu.memref_slice %arg9[%dma_wait3A_441] : memref<6400xf32, #tpu.memory_space<vmem>> -> memref<128xf32, #tpu.memory_space<vmem>>
    %dma_wait3A_443 = arith.constant 2944 : i32
    %dma_wait3A_444 = tpu.memref_slice %arg7[%dma_wait3A_443] : memref<6400xi32, #tpu.memory_space<vmem>> -> memref<128xi32, #tpu.memory_space<vmem>>
    %dma_wait3A_445 = arith.constant 0 : i32
    %dma_wait3A_446 = tpu.memref_slice %arg4[%dma_wait3A_445] : memref<100000xf32, #tpu.memory_space<hbm>> -> memref<100000xf32, #tpu.memory_space<hbm>>
    tpu.wait_indirect_dma semaphore(%arg12 : memref<!tpu.dma_semaphore, #tpu.memory_space<semaphore_mem>>) src(%dma_wait3A_446 : memref<100000xf32, #tpu.memory_space<hbm>>) dst(%dma_wait3A_442 : memref<128xf32, #tpu.memory_space<vmem>>)
    %dma_wait3A_447 = arith.constant 3072 : i32
    %dma_wait3A_448 = tpu.memref_slice %arg9[%dma_wait3A_447] : memref<6400xf32, #tpu.memory_space<vmem>> -> memref<128xf32, #tpu.memory_space<vmem>>
    %dma_wait3A_449 = arith.constant 3072 : i32
    %dma_wait3A_450 = tpu.memref_slice %arg7[%dma_wait3A_449] : memref<6400xi32, #tpu.memory_space<vmem>> -> memref<128xi32, #tpu.memory_space<vmem>>
    %dma_wait3A_451 = arith.constant 0 : i32
    %dma_wait3A_452 = tpu.memref_slice %arg4[%dma_wait3A_451] : memref<100000xf32, #tpu.memory_space<hbm>> -> memref<100000xf32, #tpu.memory_space<hbm>>
    tpu.wait_indirect_dma semaphore(%arg12 : memref<!tpu.dma_semaphore, #tpu.memory_space<semaphore_mem>>) src(%dma_wait3A_452 : memref<100000xf32, #tpu.memory_space<hbm>>) dst(%dma_wait3A_448 : memref<128xf32, #tpu.memory_space<vmem>>)
    %dma_wait3A_453 = arith.constant 3200 : i32
    %dma_wait3A_454 = tpu.memref_slice %arg9[%dma_wait3A_453] : memref<6400xf32, #tpu.memory_space<vmem>> -> memref<128xf32, #tpu.memory_space<vmem>>
    %dma_wait3A_455 = arith.constant 3200 : i32
    %dma_wait3A_456 = tpu.memref_slice %arg7[%dma_wait3A_455] : memref<6400xi32, #tpu.memory_space<vmem>> -> memref<128xi32, #tpu.memory_space<vmem>>
    %dma_wait3A_457 = arith.constant 0 : i32
    %dma_wait3A_458 = tpu.memref_slice %arg4[%dma_wait3A_457] : memref<100000xf32, #tpu.memory_space<hbm>> -> memref<100000xf32, #tpu.memory_space<hbm>>
    tpu.wait_indirect_dma semaphore(%arg12 : memref<!tpu.dma_semaphore, #tpu.memory_space<semaphore_mem>>) src(%dma_wait3A_458 : memref<100000xf32, #tpu.memory_space<hbm>>) dst(%dma_wait3A_454 : memref<128xf32, #tpu.memory_space<vmem>>)
    %dma_wait3A_459 = arith.constant 3328 : i32
    %dma_wait3A_460 = tpu.memref_slice %arg9[%dma_wait3A_459] : memref<6400xf32, #tpu.memory_space<vmem>> -> memref<128xf32, #tpu.memory_space<vmem>>
    %dma_wait3A_461 = arith.constant 3328 : i32
    %dma_wait3A_462 = tpu.memref_slice %arg7[%dma_wait3A_461] : memref<6400xi32, #tpu.memory_space<vmem>> -> memref<128xi32, #tpu.memory_space<vmem>>
    %dma_wait3A_463 = arith.constant 0 : i32
    %dma_wait3A_464 = tpu.memref_slice %arg4[%dma_wait3A_463] : memref<100000xf32, #tpu.memory_space<hbm>> -> memref<100000xf32, #tpu.memory_space<hbm>>
    tpu.wait_indirect_dma semaphore(%arg12 : memref<!tpu.dma_semaphore, #tpu.memory_space<semaphore_mem>>) src(%dma_wait3A_464 : memref<100000xf32, #tpu.memory_space<hbm>>) dst(%dma_wait3A_460 : memref<128xf32, #tpu.memory_space<vmem>>)
    %dma_wait3A_465 = arith.constant 3456 : i32
    %dma_wait3A_466 = tpu.memref_slice %arg9[%dma_wait3A_465] : memref<6400xf32, #tpu.memory_space<vmem>> -> memref<128xf32, #tpu.memory_space<vmem>>
    %dma_wait3A_467 = arith.constant 3456 : i32
    %dma_wait3A_468 = tpu.memref_slice %arg7[%dma_wait3A_467] : memref<6400xi32, #tpu.memory_space<vmem>> -> memref<128xi32, #tpu.memory_space<vmem>>
    %dma_wait3A_469 = arith.constant 0 : i32
    %dma_wait3A_470 = tpu.memref_slice %arg4[%dma_wait3A_469] : memref<100000xf32, #tpu.memory_space<hbm>> -> memref<100000xf32, #tpu.memory_space<hbm>>
    tpu.wait_indirect_dma semaphore(%arg12 : memref<!tpu.dma_semaphore, #tpu.memory_space<semaphore_mem>>) src(%dma_wait3A_470 : memref<100000xf32, #tpu.memory_space<hbm>>) dst(%dma_wait3A_466 : memref<128xf32, #tpu.memory_space<vmem>>)
    %dma_wait3A_471 = arith.constant 3584 : i32
    %dma_wait3A_472 = tpu.memref_slice %arg9[%dma_wait3A_471] : memref<6400xf32, #tpu.memory_space<vmem>> -> memref<128xf32, #tpu.memory_space<vmem>>
    %dma_wait3A_473 = arith.constant 3584 : i32
    %dma_wait3A_474 = tpu.memref_slice %arg7[%dma_wait3A_473] : memref<6400xi32, #tpu.memory_space<vmem>> -> memref<128xi32, #tpu.memory_space<vmem>>
    %dma_wait3A_475 = arith.constant 0 : i32
    %dma_wait3A_476 = tpu.memref_slice %arg4[%dma_wait3A_475] : memref<100000xf32, #tpu.memory_space<hbm>> -> memref<100000xf32, #tpu.memory_space<hbm>>
    tpu.wait_indirect_dma semaphore(%arg12 : memref<!tpu.dma_semaphore, #tpu.memory_space<semaphore_mem>>) src(%dma_wait3A_476 : memref<100000xf32, #tpu.memory_space<hbm>>) dst(%dma_wait3A_472 : memref<128xf32, #tpu.memory_space<vmem>>)
    %dma_wait3A_477 = arith.constant 3712 : i32
    %dma_wait3A_478 = tpu.memref_slice %arg9[%dma_wait3A_477] : memref<6400xf32, #tpu.memory_space<vmem>> -> memref<128xf32, #tpu.memory_space<vmem>>
    %dma_wait3A_479 = arith.constant 3712 : i32
    %dma_wait3A_480 = tpu.memref_slice %arg7[%dma_wait3A_479] : memref<6400xi32, #tpu.memory_space<vmem>> -> memref<128xi32, #tpu.memory_space<vmem>>
    %dma_wait3A_481 = arith.constant 0 : i32
    %dma_wait3A_482 = tpu.memref_slice %arg4[%dma_wait3A_481] : memref<100000xf32, #tpu.memory_space<hbm>> -> memref<100000xf32, #tpu.memory_space<hbm>>
    tpu.wait_indirect_dma semaphore(%arg12 : memref<!tpu.dma_semaphore, #tpu.memory_space<semaphore_mem>>) src(%dma_wait3A_482 : memref<100000xf32, #tpu.memory_space<hbm>>) dst(%dma_wait3A_478 : memref<128xf32, #tpu.memory_space<vmem>>)
    %dma_wait3A_483 = arith.constant 3840 : i32
    %dma_wait3A_484 = tpu.memref_slice %arg9[%dma_wait3A_483] : memref<6400xf32, #tpu.memory_space<vmem>> -> memref<128xf32, #tpu.memory_space<vmem>>
    %dma_wait3A_485 = arith.constant 3840 : i32
    %dma_wait3A_486 = tpu.memref_slice %arg7[%dma_wait3A_485] : memref<6400xi32, #tpu.memory_space<vmem>> -> memref<128xi32, #tpu.memory_space<vmem>>
    %dma_wait3A_487 = arith.constant 0 : i32
    %dma_wait3A_488 = tpu.memref_slice %arg4[%dma_wait3A_487] : memref<100000xf32, #tpu.memory_space<hbm>> -> memref<100000xf32, #tpu.memory_space<hbm>>
    tpu.wait_indirect_dma semaphore(%arg12 : memref<!tpu.dma_semaphore, #tpu.memory_space<semaphore_mem>>) src(%dma_wait3A_488 : memref<100000xf32, #tpu.memory_space<hbm>>) dst(%dma_wait3A_484 : memref<128xf32, #tpu.memory_space<vmem>>)
    %dma_wait3A_489 = arith.constant 3968 : i32
    %dma_wait3A_490 = tpu.memref_slice %arg9[%dma_wait3A_489] : memref<6400xf32, #tpu.memory_space<vmem>> -> memref<128xf32, #tpu.memory_space<vmem>>
    %dma_wait3A_491 = arith.constant 3968 : i32
    %dma_wait3A_492 = tpu.memref_slice %arg7[%dma_wait3A_491] : memref<6400xi32, #tpu.memory_space<vmem>> -> memref<128xi32, #tpu.memory_space<vmem>>
    %dma_wait3A_493 = arith.constant 0 : i32
    %dma_wait3A_494 = tpu.memref_slice %arg4[%dma_wait3A_493] : memref<100000xf32, #tpu.memory_space<hbm>> -> memref<100000xf32, #tpu.memory_space<hbm>>
    tpu.wait_indirect_dma semaphore(%arg12 : memref<!tpu.dma_semaphore, #tpu.memory_space<semaphore_mem>>) src(%dma_wait3A_494 : memref<100000xf32, #tpu.memory_space<hbm>>) dst(%dma_wait3A_490 : memref<128xf32, #tpu.memory_space<vmem>>)
    %dma_wait3A_495 = arith.constant 4096 : i32
    %dma_wait3A_496 = tpu.memref_slice %arg9[%dma_wait3A_495] : memref<6400xf32, #tpu.memory_space<vmem>> -> memref<128xf32, #tpu.memory_space<vmem>>
    %dma_wait3A_497 = arith.constant 4096 : i32
    %dma_wait3A_498 = tpu.memref_slice %arg7[%dma_wait3A_497] : memref<6400xi32, #tpu.memory_space<vmem>> -> memref<128xi32, #tpu.memory_space<vmem>>
    %dma_wait3A_499 = arith.constant 0 : i32
    %dma_wait3A_500 = tpu.memref_slice %arg4[%dma_wait3A_499] : memref<100000xf32, #tpu.memory_space<hbm>> -> memref<100000xf32, #tpu.memory_space<hbm>>
    tpu.wait_indirect_dma semaphore(%arg12 : memref<!tpu.dma_semaphore, #tpu.memory_space<semaphore_mem>>) src(%dma_wait3A_500 : memref<100000xf32, #tpu.memory_space<hbm>>) dst(%dma_wait3A_496 : memref<128xf32, #tpu.memory_space<vmem>>)
    %dma_wait3A_501 = arith.constant 4224 : i32
    %dma_wait3A_502 = tpu.memref_slice %arg9[%dma_wait3A_501] : memref<6400xf32, #tpu.memory_space<vmem>> -> memref<128xf32, #tpu.memory_space<vmem>>
    %dma_wait3A_503 = arith.constant 4224 : i32
    %dma_wait3A_504 = tpu.memref_slice %arg7[%dma_wait3A_503] : memref<6400xi32, #tpu.memory_space<vmem>> -> memref<128xi32, #tpu.memory_space<vmem>>
    %dma_wait3A_505 = arith.constant 0 : i32
    %dma_wait3A_506 = tpu.memref_slice %arg4[%dma_wait3A_505] : memref<100000xf32, #tpu.memory_space<hbm>> -> memref<100000xf32, #tpu.memory_space<hbm>>
    tpu.wait_indirect_dma semaphore(%arg12 : memref<!tpu.dma_semaphore, #tpu.memory_space<semaphore_mem>>) src(%dma_wait3A_506 : memref<100000xf32, #tpu.memory_space<hbm>>) dst(%dma_wait3A_502 : memref<128xf32, #tpu.memory_space<vmem>>)
    %dma_wait3A_507 = arith.constant 4352 : i32
    %dma_wait3A_508 = tpu.memref_slice %arg9[%dma_wait3A_507] : memref<6400xf32, #tpu.memory_space<vmem>> -> memref<128xf32, #tpu.memory_space<vmem>>
    %dma_wait3A_509 = arith.constant 4352 : i32
    %dma_wait3A_510 = tpu.memref_slice %arg7[%dma_wait3A_509] : memref<6400xi32, #tpu.memory_space<vmem>> -> memref<128xi32, #tpu.memory_space<vmem>>
    %dma_wait3A_511 = arith.constant 0 : i32
    %dma_wait3A_512 = tpu.memref_slice %arg4[%dma_wait3A_511] : memref<100000xf32, #tpu.memory_space<hbm>> -> memref<100000xf32, #tpu.memory_space<hbm>>
    tpu.wait_indirect_dma semaphore(%arg12 : memref<!tpu.dma_semaphore, #tpu.memory_space<semaphore_mem>>) src(%dma_wait3A_512 : memref<100000xf32, #tpu.memory_space<hbm>>) dst(%dma_wait3A_508 : memref<128xf32, #tpu.memory_space<vmem>>)
    %dma_wait3A_513 = arith.constant 4480 : i32
    %dma_wait3A_514 = tpu.memref_slice %arg9[%dma_wait3A_513] : memref<6400xf32, #tpu.memory_space<vmem>> -> memref<128xf32, #tpu.memory_space<vmem>>
    %dma_wait3A_515 = arith.constant 4480 : i32
    %dma_wait3A_516 = tpu.memref_slice %arg7[%dma_wait3A_515] : memref<6400xi32, #tpu.memory_space<vmem>> -> memref<128xi32, #tpu.memory_space<vmem>>
    %dma_wait3A_517 = arith.constant 0 : i32
    %dma_wait3A_518 = tpu.memref_slice %arg4[%dma_wait3A_517] : memref<100000xf32, #tpu.memory_space<hbm>> -> memref<100000xf32, #tpu.memory_space<hbm>>
    tpu.wait_indirect_dma semaphore(%arg12 : memref<!tpu.dma_semaphore, #tpu.memory_space<semaphore_mem>>) src(%dma_wait3A_518 : memref<100000xf32, #tpu.memory_space<hbm>>) dst(%dma_wait3A_514 : memref<128xf32, #tpu.memory_space<vmem>>)
    %dma_wait3A_519 = arith.constant 4608 : i32
    %dma_wait3A_520 = tpu.memref_slice %arg9[%dma_wait3A_519] : memref<6400xf32, #tpu.memory_space<vmem>> -> memref<128xf32, #tpu.memory_space<vmem>>
    %dma_wait3A_521 = arith.constant 4608 : i32
    %dma_wait3A_522 = tpu.memref_slice %arg7[%dma_wait3A_521] : memref<6400xi32, #tpu.memory_space<vmem>> -> memref<128xi32, #tpu.memory_space<vmem>>
    %dma_wait3A_523 = arith.constant 0 : i32
    %dma_wait3A_524 = tpu.memref_slice %arg4[%dma_wait3A_523] : memref<100000xf32, #tpu.memory_space<hbm>> -> memref<100000xf32, #tpu.memory_space<hbm>>
    tpu.wait_indirect_dma semaphore(%arg12 : memref<!tpu.dma_semaphore, #tpu.memory_space<semaphore_mem>>) src(%dma_wait3A_524 : memref<100000xf32, #tpu.memory_space<hbm>>) dst(%dma_wait3A_520 : memref<128xf32, #tpu.memory_space<vmem>>)
    %dma_wait3A_525 = arith.constant 4736 : i32
    %dma_wait3A_526 = tpu.memref_slice %arg9[%dma_wait3A_525] : memref<6400xf32, #tpu.memory_space<vmem>> -> memref<128xf32, #tpu.memory_space<vmem>>
    %dma_wait3A_527 = arith.constant 4736 : i32
    %dma_wait3A_528 = tpu.memref_slice %arg7[%dma_wait3A_527] : memref<6400xi32, #tpu.memory_space<vmem>> -> memref<128xi32, #tpu.memory_space<vmem>>
    %dma_wait3A_529 = arith.constant 0 : i32
    %dma_wait3A_530 = tpu.memref_slice %arg4[%dma_wait3A_529] : memref<100000xf32, #tpu.memory_space<hbm>> -> memref<100000xf32, #tpu.memory_space<hbm>>
    tpu.wait_indirect_dma semaphore(%arg12 : memref<!tpu.dma_semaphore, #tpu.memory_space<semaphore_mem>>) src(%dma_wait3A_530 : memref<100000xf32, #tpu.memory_space<hbm>>) dst(%dma_wait3A_526 : memref<128xf32, #tpu.memory_space<vmem>>)
    %dma_wait3A_531 = arith.constant 4864 : i32
    %dma_wait3A_532 = tpu.memref_slice %arg9[%dma_wait3A_531] : memref<6400xf32, #tpu.memory_space<vmem>> -> memref<128xf32, #tpu.memory_space<vmem>>
    %dma_wait3A_533 = arith.constant 4864 : i32
    %dma_wait3A_534 = tpu.memref_slice %arg7[%dma_wait3A_533] : memref<6400xi32, #tpu.memory_space<vmem>> -> memref<128xi32, #tpu.memory_space<vmem>>
    %dma_wait3A_535 = arith.constant 0 : i32
    %dma_wait3A_536 = tpu.memref_slice %arg4[%dma_wait3A_535] : memref<100000xf32, #tpu.memory_space<hbm>> -> memref<100000xf32, #tpu.memory_space<hbm>>
    tpu.wait_indirect_dma semaphore(%arg12 : memref<!tpu.dma_semaphore, #tpu.memory_space<semaphore_mem>>) src(%dma_wait3A_536 : memref<100000xf32, #tpu.memory_space<hbm>>) dst(%dma_wait3A_532 : memref<128xf32, #tpu.memory_space<vmem>>)
    %dma_wait3A_537 = arith.constant 4992 : i32
    %dma_wait3A_538 = tpu.memref_slice %arg9[%dma_wait3A_537] : memref<6400xf32, #tpu.memory_space<vmem>> -> memref<128xf32, #tpu.memory_space<vmem>>
    %dma_wait3A_539 = arith.constant 4992 : i32
    %dma_wait3A_540 = tpu.memref_slice %arg7[%dma_wait3A_539] : memref<6400xi32, #tpu.memory_space<vmem>> -> memref<128xi32, #tpu.memory_space<vmem>>
    %dma_wait3A_541 = arith.constant 0 : i32
    %dma_wait3A_542 = tpu.memref_slice %arg4[%dma_wait3A_541] : memref<100000xf32, #tpu.memory_space<hbm>> -> memref<100000xf32, #tpu.memory_space<hbm>>
    tpu.wait_indirect_dma semaphore(%arg12 : memref<!tpu.dma_semaphore, #tpu.memory_space<semaphore_mem>>) src(%dma_wait3A_542 : memref<100000xf32, #tpu.memory_space<hbm>>) dst(%dma_wait3A_538 : memref<128xf32, #tpu.memory_space<vmem>>)
    %dma_wait3A_543 = arith.constant 5120 : i32
    %dma_wait3A_544 = tpu.memref_slice %arg9[%dma_wait3A_543] : memref<6400xf32, #tpu.memory_space<vmem>> -> memref<128xf32, #tpu.memory_space<vmem>>
    %dma_wait3A_545 = arith.constant 5120 : i32
    %dma_wait3A_546 = tpu.memref_slice %arg7[%dma_wait3A_545] : memref<6400xi32, #tpu.memory_space<vmem>> -> memref<128xi32, #tpu.memory_space<vmem>>
    %dma_wait3A_547 = arith.constant 0 : i32
    %dma_wait3A_548 = tpu.memref_slice %arg4[%dma_wait3A_547] : memref<100000xf32, #tpu.memory_space<hbm>> -> memref<100000xf32, #tpu.memory_space<hbm>>
    tpu.wait_indirect_dma semaphore(%arg12 : memref<!tpu.dma_semaphore, #tpu.memory_space<semaphore_mem>>) src(%dma_wait3A_548 : memref<100000xf32, #tpu.memory_space<hbm>>) dst(%dma_wait3A_544 : memref<128xf32, #tpu.memory_space<vmem>>)
    %dma_wait3A_549 = arith.constant 5248 : i32
    %dma_wait3A_550 = tpu.memref_slice %arg9[%dma_wait3A_549] : memref<6400xf32, #tpu.memory_space<vmem>> -> memref<128xf32, #tpu.memory_space<vmem>>
    %dma_wait3A_551 = arith.constant 5248 : i32
    %dma_wait3A_552 = tpu.memref_slice %arg7[%dma_wait3A_551] : memref<6400xi32, #tpu.memory_space<vmem>> -> memref<128xi32, #tpu.memory_space<vmem>>
    %dma_wait3A_553 = arith.constant 0 : i32
    %dma_wait3A_554 = tpu.memref_slice %arg4[%dma_wait3A_553] : memref<100000xf32, #tpu.memory_space<hbm>> -> memref<100000xf32, #tpu.memory_space<hbm>>
    tpu.wait_indirect_dma semaphore(%arg12 : memref<!tpu.dma_semaphore, #tpu.memory_space<semaphore_mem>>) src(%dma_wait3A_554 : memref<100000xf32, #tpu.memory_space<hbm>>) dst(%dma_wait3A_550 : memref<128xf32, #tpu.memory_space<vmem>>)
    %dma_wait3A_555 = arith.constant 5376 : i32
    %dma_wait3A_556 = tpu.memref_slice %arg9[%dma_wait3A_555] : memref<6400xf32, #tpu.memory_space<vmem>> -> memref<128xf32, #tpu.memory_space<vmem>>
    %dma_wait3A_557 = arith.constant 5376 : i32
    %dma_wait3A_558 = tpu.memref_slice %arg7[%dma_wait3A_557] : memref<6400xi32, #tpu.memory_space<vmem>> -> memref<128xi32, #tpu.memory_space<vmem>>
    %dma_wait3A_559 = arith.constant 0 : i32
    %dma_wait3A_560 = tpu.memref_slice %arg4[%dma_wait3A_559] : memref<100000xf32, #tpu.memory_space<hbm>> -> memref<100000xf32, #tpu.memory_space<hbm>>
    tpu.wait_indirect_dma semaphore(%arg12 : memref<!tpu.dma_semaphore, #tpu.memory_space<semaphore_mem>>) src(%dma_wait3A_560 : memref<100000xf32, #tpu.memory_space<hbm>>) dst(%dma_wait3A_556 : memref<128xf32, #tpu.memory_space<vmem>>)
    %dma_wait3A_561 = arith.constant 5504 : i32
    %dma_wait3A_562 = tpu.memref_slice %arg9[%dma_wait3A_561] : memref<6400xf32, #tpu.memory_space<vmem>> -> memref<128xf32, #tpu.memory_space<vmem>>
    %dma_wait3A_563 = arith.constant 5504 : i32
    %dma_wait3A_564 = tpu.memref_slice %arg7[%dma_wait3A_563] : memref<6400xi32, #tpu.memory_space<vmem>> -> memref<128xi32, #tpu.memory_space<vmem>>
    %dma_wait3A_565 = arith.constant 0 : i32
    %dma_wait3A_566 = tpu.memref_slice %arg4[%dma_wait3A_565] : memref<100000xf32, #tpu.memory_space<hbm>> -> memref<100000xf32, #tpu.memory_space<hbm>>
    tpu.wait_indirect_dma semaphore(%arg12 : memref<!tpu.dma_semaphore, #tpu.memory_space<semaphore_mem>>) src(%dma_wait3A_566 : memref<100000xf32, #tpu.memory_space<hbm>>) dst(%dma_wait3A_562 : memref<128xf32, #tpu.memory_space<vmem>>)
    %dma_wait3A_567 = arith.constant 5632 : i32
    %dma_wait3A_568 = tpu.memref_slice %arg9[%dma_wait3A_567] : memref<6400xf32, #tpu.memory_space<vmem>> -> memref<128xf32, #tpu.memory_space<vmem>>
    %dma_wait3A_569 = arith.constant 5632 : i32
    %dma_wait3A_570 = tpu.memref_slice %arg7[%dma_wait3A_569] : memref<6400xi32, #tpu.memory_space<vmem>> -> memref<128xi32, #tpu.memory_space<vmem>>
    %dma_wait3A_571 = arith.constant 0 : i32
    %dma_wait3A_572 = tpu.memref_slice %arg4[%dma_wait3A_571] : memref<100000xf32, #tpu.memory_space<hbm>> -> memref<100000xf32, #tpu.memory_space<hbm>>
    tpu.wait_indirect_dma semaphore(%arg12 : memref<!tpu.dma_semaphore, #tpu.memory_space<semaphore_mem>>) src(%dma_wait3A_572 : memref<100000xf32, #tpu.memory_space<hbm>>) dst(%dma_wait3A_568 : memref<128xf32, #tpu.memory_space<vmem>>)
    %dma_wait3A_573 = arith.constant 5760 : i32
    %dma_wait3A_574 = tpu.memref_slice %arg9[%dma_wait3A_573] : memref<6400xf32, #tpu.memory_space<vmem>> -> memref<128xf32, #tpu.memory_space<vmem>>
    %dma_wait3A_575 = arith.constant 5760 : i32
    %dma_wait3A_576 = tpu.memref_slice %arg7[%dma_wait3A_575] : memref<6400xi32, #tpu.memory_space<vmem>> -> memref<128xi32, #tpu.memory_space<vmem>>
    %dma_wait3A_577 = arith.constant 0 : i32
    %dma_wait3A_578 = tpu.memref_slice %arg4[%dma_wait3A_577] : memref<100000xf32, #tpu.memory_space<hbm>> -> memref<100000xf32, #tpu.memory_space<hbm>>
    tpu.wait_indirect_dma semaphore(%arg12 : memref<!tpu.dma_semaphore, #tpu.memory_space<semaphore_mem>>) src(%dma_wait3A_578 : memref<100000xf32, #tpu.memory_space<hbm>>) dst(%dma_wait3A_574 : memref<128xf32, #tpu.memory_space<vmem>>)
    %dma_wait3A_579 = arith.constant 5888 : i32
    %dma_wait3A_580 = tpu.memref_slice %arg9[%dma_wait3A_579] : memref<6400xf32, #tpu.memory_space<vmem>> -> memref<128xf32, #tpu.memory_space<vmem>>
    %dma_wait3A_581 = arith.constant 5888 : i32
    %dma_wait3A_582 = tpu.memref_slice %arg7[%dma_wait3A_581] : memref<6400xi32, #tpu.memory_space<vmem>> -> memref<128xi32, #tpu.memory_space<vmem>>
    %dma_wait3A_583 = arith.constant 0 : i32
    %dma_wait3A_584 = tpu.memref_slice %arg4[%dma_wait3A_583] : memref<100000xf32, #tpu.memory_space<hbm>> -> memref<100000xf32, #tpu.memory_space<hbm>>
    tpu.wait_indirect_dma semaphore(%arg12 : memref<!tpu.dma_semaphore, #tpu.memory_space<semaphore_mem>>) src(%dma_wait3A_584 : memref<100000xf32, #tpu.memory_space<hbm>>) dst(%dma_wait3A_580 : memref<128xf32, #tpu.memory_space<vmem>>)
    %dma_wait3A_585 = arith.constant 6016 : i32
    %dma_wait3A_586 = tpu.memref_slice %arg9[%dma_wait3A_585] : memref<6400xf32, #tpu.memory_space<vmem>> -> memref<128xf32, #tpu.memory_space<vmem>>
    %dma_wait3A_587 = arith.constant 6016 : i32
    %dma_wait3A_588 = tpu.memref_slice %arg7[%dma_wait3A_587] : memref<6400xi32, #tpu.memory_space<vmem>> -> memref<128xi32, #tpu.memory_space<vmem>>
    %dma_wait3A_589 = arith.constant 0 : i32
    %dma_wait3A_590 = tpu.memref_slice %arg4[%dma_wait3A_589] : memref<100000xf32, #tpu.memory_space<hbm>> -> memref<100000xf32, #tpu.memory_space<hbm>>
    tpu.wait_indirect_dma semaphore(%arg12 : memref<!tpu.dma_semaphore, #tpu.memory_space<semaphore_mem>>) src(%dma_wait3A_590 : memref<100000xf32, #tpu.memory_space<hbm>>) dst(%dma_wait3A_586 : memref<128xf32, #tpu.memory_space<vmem>>)
    %dma_wait3A_591 = arith.constant 6144 : i32
    %dma_wait3A_592 = tpu.memref_slice %arg9[%dma_wait3A_591] : memref<6400xf32, #tpu.memory_space<vmem>> -> memref<128xf32, #tpu.memory_space<vmem>>
    %dma_wait3A_593 = arith.constant 6144 : i32
    %dma_wait3A_594 = tpu.memref_slice %arg7[%dma_wait3A_593] : memref<6400xi32, #tpu.memory_space<vmem>> -> memref<128xi32, #tpu.memory_space<vmem>>
    %dma_wait3A_595 = arith.constant 0 : i32
    %dma_wait3A_596 = tpu.memref_slice %arg4[%dma_wait3A_595] : memref<100000xf32, #tpu.memory_space<hbm>> -> memref<100000xf32, #tpu.memory_space<hbm>>
    tpu.wait_indirect_dma semaphore(%arg12 : memref<!tpu.dma_semaphore, #tpu.memory_space<semaphore_mem>>) src(%dma_wait3A_596 : memref<100000xf32, #tpu.memory_space<hbm>>) dst(%dma_wait3A_592 : memref<128xf32, #tpu.memory_space<vmem>>)
    %dma_wait3A_597 = arith.constant 6272 : i32
    %dma_wait3A_598 = tpu.memref_slice %arg9[%dma_wait3A_597] : memref<6400xf32, #tpu.memory_space<vmem>> -> memref<128xf32, #tpu.memory_space<vmem>>
    %dma_wait3A_599 = arith.constant 6272 : i32
    %dma_wait3A_600 = tpu.memref_slice %arg7[%dma_wait3A_599] : memref<6400xi32, #tpu.memory_space<vmem>> -> memref<128xi32, #tpu.memory_space<vmem>>
    %dma_wait3A_601 = arith.constant 0 : i32
    %dma_wait3A_602 = tpu.memref_slice %arg4[%dma_wait3A_601] : memref<100000xf32, #tpu.memory_space<hbm>> -> memref<100000xf32, #tpu.memory_space<hbm>>
    tpu.wait_indirect_dma semaphore(%arg12 : memref<!tpu.dma_semaphore, #tpu.memory_space<semaphore_mem>>) src(%dma_wait3A_602 : memref<100000xf32, #tpu.memory_space<hbm>>) dst(%dma_wait3A_598 : memref<128xf32, #tpu.memory_space<vmem>>)
    %dma_wait3A_603 = arith.constant 0 : i32
    %dma_wait3A_604 = tpu.memref_slice %arg5[%dma_wait3A_603] : memref<100000xf32, #tpu.memory_space<hbm>> -> memref<100000xf32, #tpu.memory_space<hbm>>
    tpu.wait_indirect_dma semaphore(%arg12 : memref<!tpu.dma_semaphore, #tpu.memory_space<semaphore_mem>>) src(%dma_wait3A_604 : memref<100000xf32, #tpu.memory_space<hbm>>) dst(%arg10 : memref<128xf32, #tpu.memory_space<vmem>>)
    %broadcast_in_dim3A = arith.constant 0.000000e+00 : f32
    %broadcast_in_dim3A_605 = vector.broadcast %broadcast_in_dim3A : f32 to vector<16xf32>
    %broadcast_in_dim3A_606 = arith.constant 0.000000e+00 : f32
    %broadcast_in_dim3A_607 = vector.broadcast %broadcast_in_dim3A_606 : f32 to vector<16xf32>
    %broadcast_in_dim3A_608 = arith.constant 0.000000e+00 : f32
    %broadcast_in_dim3A_609 = vector.broadcast %broadcast_in_dim3A_608 : f32 to vector<16xf32>
    %broadcast_in_dim3A_610 = arith.constant 0.000000e+00 : f32
    %broadcast_in_dim3A_611 = vector.broadcast %broadcast_in_dim3A_610 : f32 to vector<16xf32>
    %broadcast_in_dim3A_612 = arith.constant 0.000000e+00 : f32
    %broadcast_in_dim3A_613 = vector.broadcast %broadcast_in_dim3A_612 : f32 to vector<16xf32>
    %broadcast_in_dim3A_614 = arith.constant 0.000000e+00 : f32
    %broadcast_in_dim3A_615 = vector.broadcast %broadcast_in_dim3A_614 : f32 to vector<16xf32>
    %broadcast_in_dim3A_616 = arith.constant 0.000000e+00 : f32
    %broadcast_in_dim3A_617 = vector.broadcast %broadcast_in_dim3A_616 : f32 to vector<16xf32>
    %broadcast_in_dim3A_618 = arith.constant 0.000000e+00 : f32
    %broadcast_in_dim3A_619 = vector.broadcast %broadcast_in_dim3A_618 : f32 to vector<16xf32>
    %scan3A = arith.constant 0 : i32
    %scan3A_620 = arith.constant 50 : i32
    %scan3A_621 = arith.addi %scan3A, %scan3A_620 : i32
    %scan3A_622 = arith.constant 1 : i32
    %scan3A_623:8 = scf.for %scan3A_764 = %scan3A to %scan3A_621 step %scan3A_622 iter_args(%scan3A_765 = %broadcast_in_dim3A_605, %scan3A_766 = %broadcast_in_dim3A_607, %scan3A_767 = %broadcast_in_dim3A_609, %scan3A_768 = %broadcast_in_dim3A_611, %scan3A_769 = %broadcast_in_dim3A_613, %scan3A_770 = %broadcast_in_dim3A_615, %scan3A_771 = %broadcast_in_dim3A_617, %scan3A_772 = %broadcast_in_dim3A_619) -> (vector<16xf32>, vector<16xf32>, vector<16xf32>, vector<16xf32>, vector<16xf32>, vector<16xf32>, vector<16xf32>, vector<16xf32>)  : i32 {
      %mul3A_773 = arith.constant 128 : i32
      %mul3A_774 = arith.muli %scan3A_764, %mul3A_773 : i32
      %add3A_775 = arith.constant 0 : i32
      %add3A_776 = arith.addi %mul3A_774, %add3A_775 : i32
      %get3A_777 = arith.index_cast %add3A_776 : i32 to index
      %get3A_778 = tpu.vector_load %arg9[%get3A_777] {strides = array<i32>} : memref<6400xf32, #tpu.memory_space<vmem>>, vector<16xf32>,
      %get3A_779 = vector.shape_cast %get3A_778 : vector<16xf32> to vector<16xf32>
      %add3A_780 = arith.addf %scan3A_765, %get3A_779 : vector<16xf32>
      %mul3A_781 = arith.constant 128 : i32
      %mul3A_782 = arith.muli %scan3A_764, %mul3A_781 : i32
      %add3A_783 = arith.constant 16 : i32
      %add3A_784 = arith.addi %mul3A_782, %add3A_783 : i32
      %get3A_785 = arith.index_cast %add3A_784 : i32 to index
      %get3A_786 = tpu.vector_load %arg9[%get3A_785] {strides = array<i32>} : memref<6400xf32, #tpu.memory_space<vmem>>, vector<16xf32>,
      %get3A_787 = vector.shape_cast %get3A_786 : vector<16xf32> to vector<16xf32>
      %add3A_788 = arith.addf %scan3A_766, %get3A_787 : vector<16xf32>
      %mul3A_789 = arith.constant 128 : i32
      %mul3A_790 = arith.muli %scan3A_764, %mul3A_789 : i32
      %add3A_791 = arith.constant 32 : i32
      %add3A_792 = arith.addi %mul3A_790, %add3A_791 : i32
      %get3A_793 = arith.index_cast %add3A_792 : i32 to index
      %get3A_794 = tpu.vector_load %arg9[%get3A_793] {strides = array<i32>} : memref<6400xf32, #tpu.memory_space<vmem>>, vector<16xf32>,
      %get3A_795 = vector.shape_cast %get3A_794 : vector<16xf32> to vector<16xf32>
      %add3A_796 = arith.addf %scan3A_767, %get3A_795 : vector<16xf32>
      %mul3A_797 = arith.constant 128 : i32
      %mul3A_798 = arith.muli %scan3A_764, %mul3A_797 : i32
      %add3A_799 = arith.constant 48 : i32
      %add3A_800 = arith.addi %mul3A_798, %add3A_799 : i32
      %get3A_801 = arith.index_cast %add3A_800 : i32 to index
      %get3A_802 = tpu.vector_load %arg9[%get3A_801] {strides = array<i32>} : memref<6400xf32, #tpu.memory_space<vmem>>, vector<16xf32>,
      %get3A_803 = vector.shape_cast %get3A_802 : vector<16xf32> to vector<16xf32>
      %add3A_804 = arith.addf %scan3A_768, %get3A_803 : vector<16xf32>
      %mul3A_805 = arith.constant 128 : i32
      %mul3A_806 = arith.muli %scan3A_764, %mul3A_805 : i32
      %add3A_807 = arith.constant 64 : i32
      %add3A_808 = arith.addi %mul3A_806, %add3A_807 : i32
      %get3A_809 = arith.index_cast %add3A_808 : i32 to index
      %get3A_810 = tpu.vector_load %arg9[%get3A_809] {strides = array<i32>} : memref<6400xf32, #tpu.memory_space<vmem>>, vector<16xf32>,
      %get3A_811 = vector.shape_cast %get3A_810 : vector<16xf32> to vector<16xf32>
      %add3A_812 = arith.addf %scan3A_769, %get3A_811 : vector<16xf32>
      %mul3A_813 = arith.constant 128 : i32
      %mul3A_814 = arith.muli %scan3A_764, %mul3A_813 : i32
      %add3A_815 = arith.constant 80 : i32
      %add3A_816 = arith.addi %mul3A_814, %add3A_815 : i32
      %get3A_817 = arith.index_cast %add3A_816 : i32 to index
      %get3A_818 = tpu.vector_load %arg9[%get3A_817] {strides = array<i32>} : memref<6400xf32, #tpu.memory_space<vmem>>, vector<16xf32>,
      %get3A_819 = vector.shape_cast %get3A_818 : vector<16xf32> to vector<16xf32>
      %add3A_820 = arith.addf %scan3A_770, %get3A_819 : vector<16xf32>
      %mul3A_821 = arith.constant 128 : i32
      %mul3A_822 = arith.muli %scan3A_764, %mul3A_821 : i32
      %add3A_823 = arith.constant 96 : i32
      %add3A_824 = arith.addi %mul3A_822, %add3A_823 : i32
      %get3A_825 = arith.index_cast %add3A_824 : i32 to index
      %get3A_826 = tpu.vector_load %arg9[%get3A_825] {strides = array<i32>} : memref<6400xf32, #tpu.memory_space<vmem>>, vector<16xf32>,
      %get3A_827 = vector.shape_cast %get3A_826 : vector<16xf32> to vector<16xf32>
      %add3A_828 = arith.addf %scan3A_771, %get3A_827 : vector<16xf32>
      %mul3A_829 = arith.constant 128 : i32
      %mul3A_830 = arith.muli %scan3A_764, %mul3A_829 : i32
      %add3A_831 = arith.constant 112 : i32
      %add3A_832 = arith.addi %mul3A_830, %add3A_831 : i32
      %get3A_833 = arith.index_cast %add3A_832 : i32 to index
      %get3A_834 = tpu.vector_load %arg9[%get3A_833] {strides = array<i32>} : memref<6400xf32, #tpu.memory_space<vmem>>, vector<16xf32>,
      %get3A_835 = vector.shape_cast %get3A_834 : vector<16xf32> to vector<16xf32>
      %add3A_836 = arith.addf %scan3A_772, %get3A_835 : vector<16xf32>
      scf.yield %add3A_780, %add3A_788, %add3A_796, %add3A_804, %add3A_812, %add3A_820, %add3A_828, %add3A_836 : vector<16xf32>, vector<16xf32>, vector<16xf32>, vector<16xf32>, vector<16xf32>, vector<16xf32>, vector<16xf32>, vector<16xf32>
    }
    %scan3A_624 = arith.constant 50 : i32
    %get3A = arith.constant 0 : index
    %get3A_625 = tpu.vector_load %arg10[%get3A] {strides = array<i32>} : memref<128xf32, #tpu.memory_space<vmem>>, vector<16xf32>,
    %get3A_626 = vector.shape_cast %get3A_625 : vector<16xf32> to vector<16xf32>
    %add3A_627 = arith.addf %scan3A_623#0, %get3A_626 : vector<16xf32>
    %neg3A = arith.constant 0.000000e+00 : f32
    %neg3A_628 = vector.broadcast %neg3A : f32 to vector<16xf32>
    %neg3A_629 = arith.subf %neg3A_628, %add3A_627 : vector<16xf32>
    %exp3A = math.exp %neg3A_629 : vector<16xf32>
    %add3A_630 = arith.constant 1.000000e+00 : f32
    %add3A_631 = vector.broadcast %add3A_630 : f32 to vector<16xf32>
    %add3A_632 = arith.addf %add3A_631, %exp3A : vector<16xf32>
    %div3A = arith.constant 1.000000e+00 : f32
    %div3A_633 = vector.broadcast %div3A : f32 to vector<16xf32>
    %div3A_634 = arith.divf %div3A_633, %add3A_632 : vector<16xf32>
    %swap3A = arith.constant 0 : index
    %swap3A_635 = tpu.vector_load %arg11[%swap3A] {strides = array<i32>} : memref<128xf32, #tpu.memory_space<vmem>>, vector<16xf32>,
    %swap3A_636 = vector.shape_cast %swap3A_635 : vector<16xf32> to vector<16xf32>
    %swap3A_637 = vector.shape_cast %div3A_634 : vector<16xf32> to vector<16xf32>
    tpu.vector_store %arg11[%swap3A], %swap3A_637 {strides = array<i32>} : memref<128xf32, #tpu.memory_space<vmem>>, vector<16xf32>,
    %get3A_638 = arith.constant 16 : index
    %get3A_639 = tpu.vector_load %arg10[%get3A_638] {strides = array<i32>} : memref<128xf32, #tpu.memory_space<vmem>>, vector<16xf32>,
    %get3A_640 = vector.shape_cast %get3A_639 : vector<16xf32> to vector<16xf32>
    %add3A_641 = arith.addf %scan3A_623#1, %get3A_640 : vector<16xf32>
    %neg3A_642 = arith.constant 0.000000e+00 : f32
    %neg3A_643 = vector.broadcast %neg3A_642 : f32 to vector<16xf32>
    %neg3A_644 = arith.subf %neg3A_643, %add3A_641 : vector<16xf32>
    %exp3A_645 = math.exp %neg3A_644 : vector<16xf32>
    %add3A_646 = arith.constant 1.000000e+00 : f32
    %add3A_647 = vector.broadcast %add3A_646 : f32 to vector<16xf32>
    %add3A_648 = arith.addf %add3A_647, %exp3A_645 : vector<16xf32>
    %div3A_649 = arith.constant 1.000000e+00 : f32
    %div3A_650 = vector.broadcast %div3A_649 : f32 to vector<16xf32>
    %div3A_651 = arith.divf %div3A_650, %add3A_648 : vector<16xf32>
    %swap3A_652 = arith.constant 16 : index
    %swap3A_653 = tpu.vector_load %arg11[%swap3A_652] {strides = array<i32>} : memref<128xf32, #tpu.memory_space<vmem>>, vector<16xf32>,
    %swap3A_654 = vector.shape_cast %swap3A_653 : vector<16xf32> to vector<16xf32>
    %swap3A_655 = vector.shape_cast %div3A_651 : vector<16xf32> to vector<16xf32>
    tpu.vector_store %arg11[%swap3A_652], %swap3A_655 {strides = array<i32>} : memref<128xf32, #tpu.memory_space<vmem>>, vector<16xf32>,
    %get3A_656 = arith.constant 32 : index
    %get3A_657 = tpu.vector_load %arg10[%get3A_656] {strides = array<i32>} : memref<128xf32, #tpu.memory_space<vmem>>, vector<16xf32>,
    %get3A_658 = vector.shape_cast %get3A_657 : vector<16xf32> to vector<16xf32>
    %add3A_659 = arith.addf %scan3A_623#2, %get3A_658 : vector<16xf32>
    %neg3A_660 = arith.constant 0.000000e+00 : f32
    %neg3A_661 = vector.broadcast %neg3A_660 : f32 to vector<16xf32>
    %neg3A_662 = arith.subf %neg3A_661, %add3A_659 : vector<16xf32>
    %exp3A_663 = math.exp %neg3A_662 : vector<16xf32>
    %add3A_664 = arith.constant 1.000000e+00 : f32
    %add3A_665 = vector.broadcast %add3A_664 : f32 to vector<16xf32>
    %add3A_666 = arith.addf %add3A_665, %exp3A_663 : vector<16xf32>
    %div3A_667 = arith.constant 1.000000e+00 : f32
    %div3A_668 = vector.broadcast %div3A_667 : f32 to vector<16xf32>
    %div3A_669 = arith.divf %div3A_668, %add3A_666 : vector<16xf32>
    %swap3A_670 = arith.constant 32 : index
    %swap3A_671 = tpu.vector_load %arg11[%swap3A_670] {strides = array<i32>} : memref<128xf32, #tpu.memory_space<vmem>>, vector<16xf32>,
    %swap3A_672 = vector.shape_cast %swap3A_671 : vector<16xf32> to vector<16xf32>
    %swap3A_673 = vector.shape_cast %div3A_669 : vector<16xf32> to vector<16xf32>
    tpu.vector_store %arg11[%swap3A_670], %swap3A_673 {strides = array<i32>} : memref<128xf32, #tpu.memory_space<vmem>>, vector<16xf32>,
    %get3A_674 = arith.constant 48 : index
    %get3A_675 = tpu.vector_load %arg10[%get3A_674] {strides = array<i32>} : memref<128xf32, #tpu.memory_space<vmem>>, vector<16xf32>,
    %get3A_676 = vector.shape_cast %get3A_675 : vector<16xf32> to vector<16xf32>
    %add3A_677 = arith.addf %scan3A_623#3, %get3A_676 : vector<16xf32>
    %neg3A_678 = arith.constant 0.000000e+00 : f32
    %neg3A_679 = vector.broadcast %neg3A_678 : f32 to vector<16xf32>
    %neg3A_680 = arith.subf %neg3A_679, %add3A_677 : vector<16xf32>
    %exp3A_681 = math.exp %neg3A_680 : vector<16xf32>
    %add3A_682 = arith.constant 1.000000e+00 : f32
    %add3A_683 = vector.broadcast %add3A_682 : f32 to vector<16xf32>
    %add3A_684 = arith.addf %add3A_683, %exp3A_681 : vector<16xf32>
    %div3A_685 = arith.constant 1.000000e+00 : f32
    %div3A_686 = vector.broadcast %div3A_685 : f32 to vector<16xf32>
    %div3A_687 = arith.divf %div3A_686, %add3A_684 : vector<16xf32>
    %swap3A_688 = arith.constant 48 : index
    %swap3A_689 = tpu.vector_load %arg11[%swap3A_688] {strides = array<i32>} : memref<128xf32, #tpu.memory_space<vmem>>, vector<16xf32>,
    %swap3A_690 = vector.shape_cast %swap3A_689 : vector<16xf32> to vector<16xf32>
    %swap3A_691 = vector.shape_cast %div3A_687 : vector<16xf32> to vector<16xf32>
    tpu.vector_store %arg11[%swap3A_688], %swap3A_691 {strides = array<i32>} : memref<128xf32, #tpu.memory_space<vmem>>, vector<16xf32>,
    %get3A_692 = arith.constant 64 : index
    %get3A_693 = tpu.vector_load %arg10[%get3A_692] {strides = array<i32>} : memref<128xf32, #tpu.memory_space<vmem>>, vector<16xf32>,
    %get3A_694 = vector.shape_cast %get3A_693 : vector<16xf32> to vector<16xf32>
    %add3A_695 = arith.addf %scan3A_623#4, %get3A_694 : vector<16xf32>
    %neg3A_696 = arith.constant 0.000000e+00 : f32
    %neg3A_697 = vector.broadcast %neg3A_696 : f32 to vector<16xf32>
    %neg3A_698 = arith.subf %neg3A_697, %add3A_695 : vector<16xf32>
    %exp3A_699 = math.exp %neg3A_698 : vector<16xf32>
    %add3A_700 = arith.constant 1.000000e+00 : f32
    %add3A_701 = vector.broadcast %add3A_700 : f32 to vector<16xf32>
    %add3A_702 = arith.addf %add3A_701, %exp3A_699 : vector<16xf32>
    %div3A_703 = arith.constant 1.000000e+00 : f32
    %div3A_704 = vector.broadcast %div3A_703 : f32 to vector<16xf32>
    %div3A_705 = arith.divf %div3A_704, %add3A_702 : vector<16xf32>
    %swap3A_706 = arith.constant 64 : index
    %swap3A_707 = tpu.vector_load %arg11[%swap3A_706] {strides = array<i32>} : memref<128xf32, #tpu.memory_space<vmem>>, vector<16xf32>,
    %swap3A_708 = vector.shape_cast %swap3A_707 : vector<16xf32> to vector<16xf32>
    %swap3A_709 = vector.shape_cast %div3A_705 : vector<16xf32> to vector<16xf32>
    tpu.vector_store %arg11[%swap3A_706], %swap3A_709 {strides = array<i32>} : memref<128xf32, #tpu.memory_space<vmem>>, vector<16xf32>,
    %get3A_710 = arith.constant 80 : index
    %get3A_711 = tpu.vector_load %arg10[%get3A_710] {strides = array<i32>} : memref<128xf32, #tpu.memory_space<vmem>>, vector<16xf32>,
    %get3A_712 = vector.shape_cast %get3A_711 : vector<16xf32> to vector<16xf32>
    %add3A_713 = arith.addf %scan3A_623#5, %get3A_712 : vector<16xf32>
    %neg3A_714 = arith.constant 0.000000e+00 : f32
    %neg3A_715 = vector.broadcast %neg3A_714 : f32 to vector<16xf32>
    %neg3A_716 = arith.subf %neg3A_715, %add3A_713 : vector<16xf32>
    %exp3A_717 = math.exp %neg3A_716 : vector<16xf32>
    %add3A_718 = arith.constant 1.000000e+00 : f32
    %add3A_719 = vector.broadcast %add3A_718 : f32 to vector<16xf32>
    %add3A_720 = arith.addf %add3A_719, %exp3A_717 : vector<16xf32>
    %div3A_721 = arith.constant 1.000000e+00 : f32
    %div3A_722 = vector.broadcast %div3A_721 : f32 to vector<16xf32>
    %div3A_723 = arith.divf %div3A_722, %add3A_720 : vector<16xf32>
    %swap3A_724 = arith.constant 80 : index
    %swap3A_725 = tpu.vector_load %arg11[%swap3A_724] {strides = array<i32>} : memref<128xf32, #tpu.memory_space<vmem>>, vector<16xf32>,
    %swap3A_726 = vector.shape_cast %swap3A_725 : vector<16xf32> to vector<16xf32>
    %swap3A_727 = vector.shape_cast %div3A_723 : vector<16xf32> to vector<16xf32>
    tpu.vector_store %arg11[%swap3A_724], %swap3A_727 {strides = array<i32>} : memref<128xf32, #tpu.memory_space<vmem>>, vector<16xf32>,
    %get3A_728 = arith.constant 96 : index
    %get3A_729 = tpu.vector_load %arg10[%get3A_728] {strides = array<i32>} : memref<128xf32, #tpu.memory_space<vmem>>, vector<16xf32>,
    %get3A_730 = vector.shape_cast %get3A_729 : vector<16xf32> to vector<16xf32>
    %add3A_731 = arith.addf %scan3A_623#6, %get3A_730 : vector<16xf32>
    %neg3A_732 = arith.constant 0.000000e+00 : f32
    %neg3A_733 = vector.broadcast %neg3A_732 : f32 to vector<16xf32>
    %neg3A_734 = arith.subf %neg3A_733, %add3A_731 : vector<16xf32>
    %exp3A_735 = math.exp %neg3A_734 : vector<16xf32>
    %add3A_736 = arith.constant 1.000000e+00 : f32
    %add3A_737 = vector.broadcast %add3A_736 : f32 to vector<16xf32>
    %add3A_738 = arith.addf %add3A_737, %exp3A_735 : vector<16xf32>
    %div3A_739 = arith.constant 1.000000e+00 : f32
    %div3A_740 = vector.broadcast %div3A_739 : f32 to vector<16xf32>
    %div3A_741 = arith.divf %div3A_740, %add3A_738 : vector<16xf32>
    %swap3A_742 = arith.constant 96 : index
    %swap3A_743 = tpu.vector_load %arg11[%swap3A_742] {strides = array<i32>} : memref<128xf32, #tpu.memory_space<vmem>>, vector<16xf32>,
    %swap3A_744 = vector.shape_cast %swap3A_743 : vector<16xf32> to vector<16xf32>
    %swap3A_745 = vector.shape_cast %div3A_741 : vector<16xf32> to vector<16xf32>
    tpu.vector_store %arg11[%swap3A_742], %swap3A_745 {strides = array<i32>} : memref<128xf32, #tpu.memory_space<vmem>>, vector<16xf32>,
    %get3A_746 = arith.constant 112 : index
    %get3A_747 = tpu.vector_load %arg10[%get3A_746] {strides = array<i32>} : memref<128xf32, #tpu.memory_space<vmem>>, vector<16xf32>,
    %get3A_748 = vector.shape_cast %get3A_747 : vector<16xf32> to vector<16xf32>
    %add3A_749 = arith.addf %scan3A_623#7, %get3A_748 : vector<16xf32>
    %neg3A_750 = arith.constant 0.000000e+00 : f32
    %neg3A_751 = vector.broadcast %neg3A_750 : f32 to vector<16xf32>
    %neg3A_752 = arith.subf %neg3A_751, %add3A_749 : vector<16xf32>
    %exp3A_753 = math.exp %neg3A_752 : vector<16xf32>
    %add3A_754 = arith.constant 1.000000e+00 : f32
    %add3A_755 = vector.broadcast %add3A_754 : f32 to vector<16xf32>
    %add3A_756 = arith.addf %add3A_755, %exp3A_753 : vector<16xf32>
    %div3A_757 = arith.constant 1.000000e+00 : f32
    %div3A_758 = vector.broadcast %div3A_757 : f32 to vector<16xf32>
    %div3A_759 = arith.divf %div3A_758, %add3A_756 : vector<16xf32>
    %swap3A_760 = arith.constant 112 : index
    %swap3A_761 = tpu.vector_load %arg11[%swap3A_760] {strides = array<i32>} : memref<128xf32, #tpu.memory_space<vmem>>, vector<16xf32>,
    %swap3A_762 = vector.shape_cast %swap3A_761 : vector<16xf32> to vector<16xf32>
    %swap3A_763 = vector.shape_cast %div3A_759 : vector<16xf32> to vector<16xf32>
    tpu.vector_store %arg11[%swap3A_760], %swap3A_763 {strides = array<i32>} : memref<128xf32, #tpu.memory_space<vmem>>, vector<16xf32>,
    "tpu.region"() ({
      %run_scoped3A = tpu.sem_alloc : memref<!tpu.dma_semaphore, #tpu.memory_space<semaphore_mem>>
      %dma_start3A_764 = tpu.memref_slice %arg6[%mul3A_2] : memref<4096xf32, #tpu.memory_space<hbm>> -> memref<128xf32, #tpu.memory_space<hbm>>
      %dma_start3A_765 = tpu.memref_slice %arg6[%mul3A_2] : memref<4096xf32, #tpu.memory_space<hbm>> -> memref<128xf32, #tpu.memory_space<hbm>>
      tpu.enqueue_dma source(%arg11 : memref<128xf32, #tpu.memory_space<vmem>>) target(%dma_start3A_765 : memref<128xf32, #tpu.memory_space<hbm>>) target_semaphore(%run_scoped3A : memref<!tpu.dma_semaphore, #tpu.memory_space<semaphore_mem>>)
      %dma_wait3A_766 = tpu.memref_slice %arg6[%mul3A_2] : memref<4096xf32, #tpu.memory_space<hbm>> -> memref<128xf32, #tpu.memory_space<hbm>>
      %dma_wait3A_767 = tpu.memref_slice %arg6[%mul3A_2] : memref<4096xf32, #tpu.memory_space<hbm>> -> memref<128xf32, #tpu.memory_space<hbm>>
      tpu.wait_dma2 semaphore(%run_scoped3A : memref<!tpu.dma_semaphore, #tpu.memory_space<semaphore_mem>>) src(%arg11 : memref<128xf32, #tpu.memory_space<vmem>>) dst(%dma_wait3A_767 : memref<128xf32, #tpu.memory_space<hbm>>)
      tpu.yield
    }) : () -> ()
    return
  }
}

module attributes {stable_mosaic.version = 14 : i64} {
  func.func @_pre_body(%arg0: i32, %arg1: memref<12800x128xf32, #tpu.memory_space<vmem>>, %arg2: memref<128x2xf32, #tpu.memory_space<vmem>>, %arg3: memref<1x1xf32, #tpu.memory_space<smem>>, %arg4: memref<1x12800xf32, #tpu.memory_space<vmem>>, %arg5: memref<1x12800xf32, #tpu.memory_space<vmem>>) attributes {dimension_semantics = [#tpu.dimension_semantics<arbitrary>], iteration_bounds = array<i64: 8>, scalar_prefetch = 0 : i64, scratch_operands = 0 : i64, tpu.core_type = #tpu.core_type<tc>, window_params = [{transform_indices = @transform_0, window_bounds = array<i64: 12800, 128>}, {pipeline_mode = #tpu.pipeline_mode<synchronous>, transform_indices = @transform_1, window_bounds = array<i64: 128, 2>}, {transform_indices = @transform_2, window_bounds = array<i64: 1, 1>}, {transform_indices = @transform_3, window_bounds = array<i64: 1, 12800>}, {transform_indices = @transform_4, window_bounds = array<i64: 1, 12800>}]} {
    %get3A = arith.constant 0 : index
    %get3A_0 = arith.constant 0 : index
    %get3A_1 = vector.load %arg1[%get3A, %get3A_0] : memref<12800x128xf32, #tpu.memory_space<vmem>>, vector<12800x128xf32>
    %mul3A = arith.mulf %get3A_1, %get3A_1 : vector<12800x128xf32>
    %broadcast_in_dim3A = arith.constant 1.000000e+00 : f32
    %broadcast_in_dim3A_2 = vector.broadcast %broadcast_in_dim3A : f32 to vector<128x1xf32>
    %dot_general3A = arith.constant dense<0.000000e+00> : vector<1x12800xf32>
    %dot_general3A_3 = tpu.matmul %broadcast_in_dim3A_2, %mul3A, %dot_general3A {dimension_numbers = #tpu.dot_dimension_numbers<[0], [1], [1], [0], [0, 1, 1, 0], [], []>, transpose_lhs_hint = false} : vector<128x1xf32>, vector<12800x128xf32>, vector<1x12800xf32> -> vector<1x12800xf32>
    %get3A_4 = arith.constant 0 : index
    %get3A_5 = arith.constant 0 : index
    %get3A_6 = vector.load %arg2[%get3A_4, %get3A_5] : memref<128x2xf32, #tpu.memory_space<vmem>>, vector<128x2xf32>
    %dot_general3A_7 = arith.constant dense<0.000000e+00> : vector<2x12800xf32>
    %dot_general3A_8 = tpu.matmul %get3A_6, %get3A_1, %dot_general3A_7 {dimension_numbers = #tpu.dot_dimension_numbers<[0], [1], [1], [0], [0, 1, 1, 0], [], []>, transpose_lhs_hint = false} : vector<128x2xf32>, vector<12800x128xf32>, vector<2x12800xf32> -> vector<2x12800xf32>
    %max3A = arith.constant 9.99999982E-15 : f32
    %max3A_9 = vector.broadcast %max3A : f32 to vector<1x12800xf32>
    %max3A_10 = arith.maximumf %dot_general3A_3, %max3A_9 : vector<1x12800xf32>
    %rsqrt3A = math.rsqrt %max3A_10 : vector<1x12800xf32>
    %min3A = arith.constant 1.000000e+00 : f32
    %min3A_11 = vector.broadcast %min3A : f32 to vector<1x12800xf32>
    %min3A_12 = arith.minimumf %min3A_11, %rsqrt3A : vector<1x12800xf32>
    %slice3A = vector.extract_strided_slice %dot_general3A_8 {offsets = [0, 0], sizes = [1, 12800], strides = [1, 1]} : vector<2x12800xf32> to vector<1x12800xf32>
    %mul3A_13 = arith.mulf %slice3A, %min3A_12 : vector<1x12800xf32>
    %swap3A = arith.constant 0 : index
    %swap3A_14 = arith.constant 0 : index
    %swap3A_15 = vector.load %arg4[%swap3A, %swap3A_14] : memref<1x12800xf32, #tpu.memory_space<vmem>>, vector<1x12800xf32>
    tpu.vector_store %arg4[%swap3A, %swap3A_14], %mul3A_13 {strides = array<i32>} : memref<1x12800xf32, #tpu.memory_space<vmem>>, vector<1x12800xf32>,
    %slice3A_16 = vector.extract_strided_slice %dot_general3A_8 {offsets = [1, 0], sizes = [1, 12800], strides = [1, 1]} : vector<2x12800xf32> to vector<1x12800xf32>
    %mul3A_17 = arith.mulf %slice3A_16, %min3A_12 : vector<1x12800xf32>
    %get3A_18 = arith.constant 0 : index
    %get3A_19 = arith.constant 0 : index
    %get3A_20 = memref.load %arg3[%get3A_18, %get3A_19] : memref<1x1xf32, #tpu.memory_space<smem>>
    %add3A = vector.broadcast %get3A_20 : f32 to vector<1x12800xf32>
    %add3A_21 = arith.addf %mul3A_17, %add3A : vector<1x12800xf32>
    %swap3A_22 = arith.constant 0 : index
    %swap3A_23 = arith.constant 0 : index
    %swap3A_24 = vector.load %arg5[%swap3A_22, %swap3A_23] : memref<1x12800xf32, #tpu.memory_space<vmem>>, vector<1x12800xf32>
    tpu.vector_store %arg5[%swap3A_22, %swap3A_23], %add3A_21 {strides = array<i32>} : memref<1x12800xf32, #tpu.memory_space<vmem>>, vector<1x12800xf32>,
    return
  }
  func.func @transform_0(%arg0: i32) -> (i32, i32) {
    %c0_i32 = arith.constant 0 : i32
    %c0_i32_0 = arith.constant 0 : i32
    return %arg0, %c0_i32 : i32, i32
  }
  func.func @transform_1(%arg0: i32) -> (i32, i32) {
    %c0_i32 = arith.constant 0 : i32
    %c0_i32_0 = arith.constant 0 : i32
    %c0_i32_1 = arith.constant 0 : i32
    return %c0_i32, %c0_i32_0 : i32, i32
  }
  func.func @transform_2(%arg0: i32) -> (i32, i32) {
    %c0_i32 = arith.constant 0 : i32
    %c0_i32_0 = arith.constant 0 : i32
    %c0_i32_1 = arith.constant 0 : i32
    return %c0_i32, %c0_i32_0 : i32, i32
  }
  func.func @transform_3(%arg0: i32) -> (i32, i32) {
    %c0_i32 = arith.constant 0 : i32
    %c0_i32_0 = arith.constant 0 : i32
    return %c0_i32, %arg0 : i32, i32
  }
  func.func @transform_4(%arg0: i32) -> (i32, i32) {
    %c0_i32 = arith.constant 0 : i32
    %c0_i32_0 = arith.constant 0 : i32
    return %c0_i32, %arg0 : i32, i32
  }
}

</mosaic_0001>

<sc_bundles>
// kernel: kernel.4.cloned.1.call-start
scs
__scs_entry_jumppad:
0x0: {  	(pc) =	sbr.rel $0x88, $3  }
0x1: {  	(tag) =	ssettag $0x0;
	lr =	simm.s32 $0x1  }
0x2: {  	[smem:$0x3F9C] =	sst lr;
	_ =	strace $0xD0000000  }
0x3: {  	_ = 	snop  }
0x4: {  	_ = 	snop  }
0x5: {  	_ = 	snop  }
0x6: {  	_ = 	snop  }
0x7: {  	_ = 	snop  }
__scs_overlays_trampoline_lowered:
0x8: {  	[smem:$0x3FAB] =	sst s0  }
0x9: {  	[smem:$0x3FAC] =	sst s1  }
0xa: {  	[smem:$0x3FAD] =	sst s2  }
0xb: {  	[smem:$0x3FAE] =	sst s3  }
0xc: {  	[smem:$0x3FAF] =	sst s4  }
0xd: {  	[smem:$0x3FB0] =	sst s5  }
0xe: {  	[smem:$0x3FB1] =	sst s6  }
0xf: {  	[smem:$0x3FB2] =	sst s7  }
0x10: {  	[smem:$0x3FB3] =	sst s8  }
0x11: {  	[smem:$0x3FB4] =	sst s9;
	s0 =	simm.s32 @!p0 $0x0  }
0x12: {  	s1 =	sld [smem:$0x3F9A];
	s0 =	simm.s32 @p0 $0x1  }
0x13: {  	[smem:$0x3FB5] =	sst s0;
	s0 =	simm.s32 @!p1 $0x0  }
0x14: {  	s2 =	sld [smem:$0x3F99];
	s0 =	simm.s32 @p1 $0x1  }
0x15: {  	[smem:$0x3FB6] =	sst s0;
	s0 =	simm.s32 @!p2 $0x0  }
0x16: {  	s3 =	sld [smem:$0x3FDB];
	s0 =	simm.s32 @p2 $0x1  }
0x17: {  	s4 =	simm.s32 $0x1BF5;
	[smem:$0x3FB8] =	sst s0  }
0x18: {  	s0 =	sld [smem:$0x3F9B];
	_ =	swait.ge [sflag:s4], $0x0  }
0x19: {  	s7 =	sld [smem:$0x3F9C]  }
0x1a: {  	s8 =	sadd.s32 $0xFFFFE003, lr  }
0x1b: {  	s9 =	sadd.s32 $0xFFFFFEF7, lr;
	s5 =	simm.s32 $0xFFFFFFFF;
	p2 =	slt.u32 s8, $0xFFFFF086  }
0x1c: {  	p1 =	slt.u32 s9, $0xF7A;
	s5 =	simm.s32 @!p2 $0x0  }
0x1d: {  	s5 =	simm.s32 @p1 $0x1;
	p0 =	seq.s32 s7, s2  }
0x1e: {  	s7 =	smul.u32 @!p0 $0xF7A, s2;
	p2 =	seq.s32 @!p0 s5, $0x0  }
0x1f: {  	s9 =	smul.u32 $0xF7A, s1;
	s8 =	simm.s32 @!p0 $0x1BF5;
	p2 =	por !p2, p0  }
0x20: {  	[sflag:s8] =	ssyncset.s32 @!p0 $0xFFFFF086;
	s6 =	sadd.s32 @!p0 s3, s7;
	s7 =	simm.s32 @!p0 $0x108  }
0x21: {  	s3 =	sadd.s32 s3, s9;
	s6 =	sadd.s32 @!p0 $0x88, s6;
	s7 =	simm.s32 @p2 $0x1082  }
0x22: {  	[simem:s7], [sflag:s8] =	dma.local @!p0 [hbm:s6], $0xF7A  }
0x23: {  	s9 =	sor.u32 $0xD0000000, s2;
	s6 =	simm.s32 $0x108;
	_ =	swait.ge @!p0 [sflag:s8], $0x0  }
0x24: {  	s3 =	sadd.s32 $0x88, s3;
	s6 =	simm.s32 @!p1 $0x1082;
	[sflag:s4] =	ssyncset.s32 $0xFFFFF086  }
0x25: {  	[simem:s6], [sflag:s4] =	dma.local [hbm:s3], $0xF7A  }
0x26: {  	[smem:$0x3F9C] =	sst s1;
	(tag) =	ssettag s2;
	_ =	strace s9  }
0x27: {  	s1 =	sld [smem:$0x3FAC]  }
0x28: {  	s2 =	sld [smem:$0x3FAD]  }
0x29: {  	s4 =	sld [smem:$0x3FAF]  }
0x2a: {  	p0 =	seq.s32 s5, $0x0;
	s5 =	sld [smem:$0x3FB0]  }
0x2b: {  	s6 =	sld [smem:$0x3FB1]  }
0x2c: {  	s7 =	sld [smem:$0x3FB2]  }
0x2d: {  	s3 =	simm.s32 $0x108;
	s8 =	sld [smem:$0x3FB3]  }
0x2e: {  	s3 =	simm.s32 @!p0 $0x1082;
	s9 =	sld [smem:$0x3FB4]  }
0x2f: {  	lr =	sadd.s32 s0, s3;
	s0 =	sld [smem:$0x3FAB]  }
0x30: {  	s3 =	sld [smem:$0x3FAE]  }
0x31: {  	[smem:$0x3FB7] =	sst s10  }
0x32: {  	s10 =	sld [smem:$0x3FB5];
	_ =	sdelay $0x3  }
0x33: {  	p0 =	seq.s32 s10, $0x1;
	s10 =	sld [smem:$0x3FB7];
	_ =	sdelay $0x3  }
0x34: {  	[smem:$0x3FB7] =	sst s10  }
0x35: {  	s10 =	sld [smem:$0x3FB6];
	_ =	sdelay $0x3  }
0x36: {  	p1 =	seq.s32 s10, $0x1;
	s10 =	sld [smem:$0x3FB7];
	_ =	sdelay $0x3  }
0x37: {  	[smem:$0x3FB7] =	sst s10  }
0x38: {  	s10 =	sld [smem:$0x3FB8]  }
0x39: {  	_ = 	snop;
	(pc) =	sbr.ind lr, $3  }
0x3a: {  	_ = 	snop  }
0x3b: {  	_ = 	snop  }
0x3c: {  	p2 =	seq.s32 s10, $0x1;
	s10 =	sld [smem:$0x3FB7]  }
0x3d: {  	_ =	shalt  }
0x3e: {  	_ =	shalt  }
0x3f: {  	_ =	shalt  }
0x40: {  	_ =	shalt  }
0x41: {  	_ =	shalt  }
0x42: {  	_ =	shalt  }
0x43: {  	_ =	shalt  }
0x44: {  	_ =	shalt  }
0x45: {  	_ =	shalt  }
0x46: {  	_ =	shalt  }
0x47: {  	_ =	shalt  }
0x48: {  	_ =	shalt  }
0x49: {  	_ =	shalt  }
0x4a: {  	_ =	shalt  }
0x4b: {  	_ =	shalt  }
0x4c: {  	_ =	shalt  }
0x4d: {  	_ =	shalt  }
0x4e: {  	_ =	shalt  }
0x4f: {  	_ =	shalt  }
0x50: {  	_ =	shalt  }
0x51: {  	_ =	shalt  }
0x52: {  	_ =	shalt  }
0x53: {  	_ =	shalt  }
0x54: {  	_ =	shalt  }
0x55: {  	_ =	shalt  }
0x56: {  	_ =	shalt  }
0x57: {  	_ =	shalt  }
0x58: {  	_ =	shalt  }
0x59: {  	_ =	shalt  }
0x5a: {  	_ =	shalt  }
0x5b: {  	_ =	shalt  }
0x5c: {  	_ =	shalt  }
0x5d: {  	_ =	shalt  }
0x5e: {  	_ =	shalt  }
0x5f: {  	_ =	shalt  }
0x60: {  	_ =	shalt  }
0x61: {  	_ =	shalt  }
0x62: {  	_ =	shalt  }
0x63: {  	_ =	shalt  }
0x64: {  	_ =	shalt  }
0x65: {  	_ =	shalt  }
0x66: {  	_ =	shalt  }
0x67: {  	_ =	shalt  }
0x68: {  	_ =	shalt  }
0x69: {  	_ =	shalt  }
0x6a: {  	_ =	shalt  }
0x6b: {  	_ =	shalt  }
0x6c: {  	_ =	shalt  }
0x6d: {  	_ =	shalt  }
0x6e: {  	_ =	shalt  }
0x6f: {  	_ =	shalt  }
0x70: {  	_ =	shalt  }
0x71: {  	_ =	shalt  }
0x72: {  	_ =	shalt  }
0x73: {  	_ =	shalt  }
0x74: {  	_ =	shalt  }
0x75: {  	_ =	shalt  }
0x76: {  	_ =	shalt  }
0x77: {  	_ =	shalt  }
0x78: {  	_ =	shalt  }
0x79: {  	_ =	shalt  }
0x7a: {  	_ =	shalt  }
0x7b: {  	_ =	shalt  }
0x7c: {  	_ =	shalt  }
0x7d: {  	_ =	shalt  }
0x7e: {  	_ =	shalt  }
0x7f: {  	_ =	shalt  }
0x80: {  	_ =	shalt  }
0x81: {  	_ =	shalt  }
0x82: {  	_ =	shalt  }
0x83: {  	_ =	shalt  }
0x84: {  	_ =	shalt  }
0x85: {  	_ =	shalt  }
0x86: {  	_ =	shalt  }
0x87: {  	_ =	shalt  }
.Lfunc_end0:
.L_simem_size_0:
called_computation_lowered:
.L_overlay_start_0:
0x88: {  	s2 =	sld [smem:$0x3FD9]  }
0x89: {  	s3 =	sld [smem:$0x3FFE];
	_ =	sdelay $0x1  }
0x8a: {  	s1 =	srdreg.scid  }
0x8b: {  	s0 =	sand.u32 $0x1, s1  }
0x8c: {  	s17 =	sshll.u32 s0, $0xA;
	s2 =	sadd.s32 s3, s2  }
0x8d: {  	s2 =	sadd.s32 s2, s17  }
0x8e: {  	[smem:$0x3FC3] =	sst s2  }
0x8f: {  	_ = 	snop  }
0x90: {  	s2 =	sld [smem:$0x3FC8]  }
0x91: {  	s18 =	sld [smem:$0x3FD0];
	(tm) =	ssettm $0x1  }
0x92: {  	s4 =	sld [smem:$0x3FFB];
	_ =	sdelay $0x3  }
0x93: {  	_ =	strace s4  }
0x94: {  	s4 =	sld [smem:$0x3FFC];
	_ =	sdelay $0x3  }
0x95: {  	_ =	strace s4  }
0x96: {  	s4 =	sld [smem:$0x3FFD];
	_ =	sdelay $0x3  }
0x97: {  	_ =	strace s4  }
0x98: {  	_ =	strace $0x8FFFFFFF  }
0x99: {  	s19 =	sld [smem:$0x3FDB];
	_ =	sdelay $0x1  }
0x9a: {  	s5 =	simm.s32 $_scs_section_size  }
0x9b: {  	s6 =	simm.s32 $_size__tile_overlayer_lowered;
	s7 =	simm.s32 $_tile_overlayer_lowered  }
0x9c: {  	s22 =	simm.s32 $0x1BFF;
	s21 =	sshll.u32 s7, $0x1;
	s4 =	sadd.s32 s5, s19  }
0x9d: {  	s8 =	simm.s32 $0x0;
	s20 =	sshll.u32 s6, $0x1;
	s6 =	sadd.s32 s21, s4  }
0x9e: {  	[timem:s8], [sflag:s22] =	dma.local [hbm:s6], s20  }
0x9f: {  	_ =	swait.ge [sflag:s22], s20  }
0xa0: {  	s5 =	ssub.s32 $0x0, s20;
	[sflag:s22] =	ssyncset.done $0x0  }
0xa1: {  	[sflag:s22] =	ssyncadd.s32 s5;
	_ =	sdelay $0x1  }
0xa2: {  	s23 =	simm.s32 $0x1B8B  }
0xa3: {  	_ =	swait.ge [sflag:s23], $0x1  }
0xa4: {  	[sflag:s23] =	ssyncset.done $0x0  }
0xa5: {  	s25 =	simm.s32 $0x1B8E;
	s24 =	sld [smem:$0x3FFE];
	[sflag:s23] =	ssyncadd.s32 $0xFFFFFFFF  }
0xa6: {  	s26 =	simm.s32 $execute0_lowered;
	[smem:$0x3FD2] =	sst s25  }
0xa7: {  	s6 =	sshll.u32 s26, $0x1;
	_ =	strace $0x80000046;
	[dreg:$0x1] =	wrdreg $0xFFFFFFFF  }
0xa8: {  	s28 =	simm.s32 $_size_execute0_lowered;
	s4 =	sadd.s32 s4, s6;
	[dreg:$0x0] =	wrdreg $0x0  }
0xa9: {  	s6 =	sshll.u32 s28, $0x1;
	[dreg:$0x2] =	wrdreg s4  }
0xaa: {  	[dreg:$0x3] =	wrdreg s6  }
0xab: {  	[dreg:$0x4] =	wrdreg $0xC0  }
0xac: {  	_ =	task [dreg:s8], $0x5FFFF  }
0xad: {  	[dreg:$0x1] =	wrdreg $0xFFFFFFFF  }
0xae: {  	[dreg:$0x0] =	wrdreg $0x60  }
0xaf: {  	[dreg:$0x2] =	wrdreg s24  }
0xb0: {  	[dreg:$0x3] =	wrdreg s2  }
0xb1: {  	[dreg:$0x4] =	wrdreg s18  }
0xb2: {  	[dreg:$0x5] =	wrdreg $0x9  }
0xb3: {  	_ =	task.clear_ibuf [dreg:s8], $0x6FFFF;
	_ =	strace $0x90000046  }
0xb4: {  	s29 =	simm.s32 $0x9;
	_ =	strace $0x80000048  }
0xb5: {  	_ =	swait.ge [sflag:s29], $0x1  }
0xb6: {  	[sflag:s29] =	ssyncadd.s32 $0xFFFFFFFF  }
0xb7: {  	_ =	strace $0x90000048  }
0xb8: {  	_ =	sfence  }
0xb9: {  	s30 =	sld [smem:$0x0];
	_ =	sdelay $0x2  }
0xba: {  	s31 =	sshll.u32 s1, $0xD;
	s1 =	sshrl.u32 s1, $0x2  }
0xbb: {  	s3 =	sand.u32 $0x4000, s31;
	s1 =	sadd.s32 s1, s30  }
0xbc: {  	s0 =	sor.u32 s3, s0;
	s1 =	sshll.u32 s1, $0x11  }
0xbd: {  	s0 =	sor.u32 s1, s0  }
0xbe: {  	s0 =	sadd.s32 $0x8F2B, s0  }
0xbf: {  	[sflag:s0] =	ssyncadd.remote.s32 $0x1  }
0xc0: {  	_ =	sfence.sel $0xFFFF  }
0xc1: {  	[dreg:$0x0] =	wrdreg $0xFFFFFFFF;
	(pc) =	sbr.abs _section_cstart, $3  }
0xc2: {  	[dreg:$0x1] =	wrdreg $0xFFFFFFFF  }
0xc3: {  	_ =	task.clear_ibuf [dreg:s8], $0x2FFFF;
	_ =	strace $0x9FFFFFFF  }
0xc4: {  	(tm) =	ssettm $0x7FFFFFFF  }
0xc5: {  	_ =	shalt  }
tec
execute0_lowered:
.L_overlay_start_1:
0x0: {  	(tag) =	ssettag $0x1  }
0x1: {  	s0 =	rddreg [dreg:$0x0]  }
0x2: {  	s1 =	rddreg [dreg:$0x1]  }
0x3: {  	s7 =	rddreg [dreg:$0x2];
	s2 =	srdreg.scid  }
0x4: {  	s5 =	stileid.u32;
	s10 =	simm.s32 $0x400;
	s11 =	simm.s32 $0x2  }
0x5: {  	s12 =	simm.s32 $0x1900;
	s16 =	simm.s32 $0x1580;
	s17 =	simm.s32 $0x2F00  }
0x6: {  	s18 =	simm.s32 $0x1600;
	s19 =	simm.s32 $0x2F80;
	s20 =	simm.s32 $0x1680  }
0x7: {  	s21 =	simm.s32 $0x3000;
	s22 =	simm.s32 $0x1700;
	s28 =	simm.s32 $0x3180  }
0x8: {  	s29 =	simm.s32 $0x1880;
	s30 =	simm.s32 $0x3200;
	s31 =	simm.s32 $0x3280  }
0x9: {  	s13 =	simm.s32 $0x0;
	s4 =	sand.u32 $0x1, s2;
	s3 =	sshll.u32 s5, $0x1  }
0xa: {  	s2 =	simm.s32 $0x0;
	s23 =	sshrl.u32 s5, $0x2;
	s6 =	sor.u32 s4, s3  }
0xb: {  	[smem:$0x7FF] =	sst s2;
	s5 =	smul.u32 $0xC800, s23;
	s3 =	sadd.s32 $0x6400, s0  }
0xc: {  	s9 =	ssub.s32 $0x2, s4;
	s4 =	sadd.s32 $0x9600, s0;
	s23 =	simm.s32 $0x3080  }
0xd: {  	s24 =	sshll.u32 s6, $0x7;
	_ =	strace $0x80000047;
	s26 =	sshll.u32 s6, $0x4  }
0xe: {  	s25 =	sshrl.u32 s9, $0x1;
	s8 =	sand.u32 $0x380, s24;
	s6 =	sadd.s32 s1, s26  }
0xf: {  	s7 =	sadd.s32 s7, s26;
	s24 =	simm.s32 $0x1780;
	s26 =	simm.s32 $0x1800  }
0x10: {  	s1 =	simm.s32 $0x3300;
	s5 =	sor.u32 s5, s8;
	s8 =	ssub.s32 s9, s25  }
0x11: {  	s9 =	simm.s32 $0x80;
	s25 =	simm.s32 $0x3100;
	s5 =	sshrl.u32 s5, $0x3  }
0x12: {  	s8 =	smax.u32 s8, $0x1;
	s5 =	sadd.s32 s0, s5;
	s0 =	simm.s32 $0x1  }
.LBB2_1:
0x13: {  	[tilespmem:s2], [sflag:$0x2] =	stream.strided.gather [hbm4b:s5+s9], $0x1900, s10, s9, $0x38;
	[tilespmem:$0x3380] =	vst v63  }
0x14: {  	_ =	swait.ge [sflag:s11], $0x1900  }
0x15: {  	[sflag:s11] =	ssyncset.done $0x0  }
0x16: {  	[sflag:s11] =	ssyncadd.s32 $0xFFFFE700  }
0x17: {  	[tilespmem:s12], [sflag:$0x2] =	stream.linear.gather [hbm4b:s6+s2], $0x80, $0x38;
	[tilespmem:$0x3380] =	vst v63  }
0x18: {  	_ =	swait.ge [sflag:s11], $0x80  }
0x19: {  	[sflag:s11] =	ssyncset.done $0x0  }
0x1a: {  	s14 =	simm.s32 $0x1980;
	[sflag:s11] =	ssyncadd.s32 $0xFFFFFF80  }
0x1b: {  	[tilespmem:s14], [sflag:$0x1] =	stream.indirect.gather [hbm4b:s3+s9], $0x1, s2, s9, $0xb8;
	[tilespmem:$0x3380] =	vst v63  }
0x1c: {  	s15 =	simm.s32 $0x1A00  }
0x1d: {  	[tilespmem:s15], [sflag:$0x1] =	stream.indirect.gather [hbm4b:s3+s9], $0x1, s9, s9, $0xb8;
	[tilespmem:$0x3380] =	vst v63  }
0x1e: {  	s14 =	simm.s32 $0x100;
	s15 =	simm.s32 $0x1A80  }
0x1f: {  	[tilespmem:s15], [sflag:$0x1] =	stream.indirect.gather [hbm4b:s3+s9], $0x1, s14, s9, $0xb8;
	[tilespmem:$0x3380] =	vst v63  }
0x20: {  	s14 =	simm.s32 $0x180;
	s15 =	simm.s32 $0x1B00  }
0x21: {  	[tilespmem:s15], [sflag:$0x1] =	stream.indirect.gather [hbm4b:s3+s9], $0x1, s14, s9, $0xb8;
	[tilespmem:$0x3380] =	vst v63  }
0x22: {  	s14 =	simm.s32 $0x200;
	s15 =	simm.s32 $0x1B80  }
0x23: {  	[tilespmem:s15], [sflag:$0x1] =	stream.indirect.gather [hbm4b:s3+s9], $0x1, s14, s9, $0xb8;
	[tilespmem:$0x3380] =	vst v63  }
0x24: {  	s14 =	simm.s32 $0x280;
	s15 =	simm.s32 $0x1C00  }
0x25: {  	[tilespmem:s15], [sflag:$0x1] =	stream.indirect.gather [hbm4b:s3+s9], $0x1, s14, s9, $0xb8;
	[tilespmem:$0x3380] =	vst v63  }
0x26: {  	s14 =	simm.s32 $0x300;
	s15 =	simm.s32 $0x1C80  }
0x27: {  	[tilespmem:s15], [sflag:$0x1] =	stream.indirect.gather [hbm4b:s3+s9], $0x1, s14, s9, $0xb8;
	[tilespmem:$0x3380] =	vst v63  }
0x28: {  	s14 =	simm.s32 $0x380;
	s15 =	simm.s32 $0x1D00  }
0x29: {  	[tilespmem:s15], [sflag:$0x1] =	stream.indirect.gather [hbm4b:s3+s9], $0x1, s14, s9, $0xb8;
	[tilespmem:$0x3380] =	vst v63  }
0x2a: {  	s15 =	simm.s32 $0x1D80  }
0x2b: {  	[tilespmem:s15], [sflag:$0x1] =	stream.indirect.gather [hbm4b:s3+s9], $0x1, s10, s9, $0xb8;
	[tilespmem:$0x3380] =	vst v63  }
0x2c: {  	s14 =	simm.s32 $0x480;
	s15 =	simm.s32 $0x1E00  }
0x2d: {  	[tilespmem:s15], [sflag:$0x1] =	stream.indirect.gather [hbm4b:s3+s9], $0x1, s14, s9, $0xb8;
	[tilespmem:$0x3380] =	vst v63  }
0x2e: {  	s14 =	simm.s32 $0x500;
	s15 =	simm.s32 $0x1E80  }
0x2f: {  	[tilespmem:s15], [sflag:$0x1] =	stream.indirect.gather [hbm4b:s3+s9], $0x1, s14, s9, $0xb8;
	[tilespmem:$0x3380] =	vst v63  }
0x30: {  	s14 =	simm.s32 $0x580;
	s15 =	simm.s32 $0x1F00  }
0x31: {  	[tilespmem:s15], [sflag:$0x1] =	stream.indirect.gather [hbm4b:s3+s9], $0x1, s14, s9, $0xb8;
	[tilespmem:$0x3380] =	vst v63  }
0x32: {  	s14 =	simm.s32 $0x600;
	s15 =	simm.s32 $0x1F80  }
0x33: {  	[tilespmem:s15], [sflag:$0x1] =	stream.indirect.gather [hbm4b:s3+s9], $0x1, s14, s9, $0xb8;
	[tilespmem:$0x3380] =	vst v63  }
0x34: {  	s14 =	simm.s32 $0x680;
	s15 =	simm.s32 $0x2000  }
0x35: {  	[tilespmem:s15], [sflag:$0x1] =	stream.indirect.gather [hbm4b:s3+s9], $0x1, s14, s9, $0xb8;
	[tilespmem:$0x3380] =	vst v63  }
0x36: {  	s14 =	simm.s32 $0x700;
	s15 =	simm.s32 $0x2080  }
0x37: {  	[tilespmem:s15], [sflag:$0x1] =	stream.indirect.gather [hbm4b:s3+s9], $0x1, s14, s9, $0xb8;
	[tilespmem:$0x3380] =	vst v63  }
0x38: {  	s14 =	simm.s32 $0x780;
	s15 =	simm.s32 $0x2100  }
0x39: {  	[tilespmem:s15], [sflag:$0x1] =	stream.indirect.gather [hbm4b:s3+s9], $0x1, s14, s9, $0xb8;
	[tilespmem:$0x3380] =	vst v63  }
0x3a: {  	s14 =	simm.s32 $0x800;
	s15 =	simm.s32 $0x2180  }
0x3b: {  	[tilespmem:s15], [sflag:$0x1] =	stream.indirect.gather [hbm4b:s3+s9], $0x1, s14, s9, $0xb8;
	[tilespmem:$0x3380] =	vst v63  }
0x3c: {  	s14 =	simm.s32 $0x880;
	s15 =	simm.s32 $0x2200  }
0x3d: {  	[tilespmem:s15], [sflag:$0x1] =	stream.indirect.gather [hbm4b:s3+s9], $0x1, s14, s9, $0xb8;
	[tilespmem:$0x3380] =	vst v63  }
0x3e: {  	s14 =	simm.s32 $0x900;
	s15 =	simm.s32 $0x2280  }
0x3f: {  	[tilespmem:s15], [sflag:$0x1] =	stream.indirect.gather [hbm4b:s3+s9], $0x1, s14, s9, $0xb8;
	[tilespmem:$0x3380] =	vst v63  }
0x40: {  	s14 =	simm.s32 $0x980;
	s15 =	simm.s32 $0x2300  }
0x41: {  	[tilespmem:s15], [sflag:$0x1] =	stream.indirect.gather [hbm4b:s3+s9], $0x1, s14, s9, $0xb8;
	[tilespmem:$0x3380] =	vst v63  }
0x42: {  	s14 =	simm.s32 $0xA00;
	s15 =	simm.s32 $0x2380  }
0x43: {  	[tilespmem:s15], [sflag:$0x1] =	stream.indirect.gather [hbm4b:s3+s9], $0x1, s14, s9, $0xb8;
	[tilespmem:$0x3380] =	vst v63  }
0x44: {  	s14 =	simm.s32 $0xA80;
	s15 =	simm.s32 $0x2400  }
0x45: {  	[tilespmem:s15], [sflag:$0x1] =	stream.indirect.gather [hbm4b:s3+s9], $0x1, s14, s9, $0xb8;
	[tilespmem:$0x3380] =	vst v63  }
0x46: {  	s14 =	simm.s32 $0xB00;
	s15 =	simm.s32 $0x2480  }
0x47: {  	[tilespmem:s15], [sflag:$0x1] =	stream.indirect.gather [hbm4b:s3+s9], $0x1, s14, s9, $0xb8;
	[tilespmem:$0x3380] =	vst v63  }
0x48: {  	s14 =	simm.s32 $0xB80;
	s15 =	simm.s32 $0x2500  }
0x49: {  	[tilespmem:s15], [sflag:$0x1] =	stream.indirect.gather [hbm4b:s3+s9], $0x1, s14, s9, $0xb8;
	[tilespmem:$0x3380] =	vst v63  }
0x4a: {  	s14 =	simm.s32 $0xC00;
	s15 =	simm.s32 $0x2580  }
0x4b: {  	[tilespmem:s15], [sflag:$0x1] =	stream.indirect.gather [hbm4b:s3+s9], $0x1, s14, s9, $0xb8;
	[tilespmem:$0x3380] =	vst v63  }
0x4c: {  	s14 =	simm.s32 $0xC80;
	s15 =	simm.s32 $0x2600  }
0x4d: {  	[tilespmem:s15], [sflag:$0x1] =	stream.indirect.gather [hbm4b:s3+s9], $0x1, s14, s9, $0xb8;
	[tilespmem:$0x3380] =	vst v63  }
0x4e: {  	s14 =	simm.s32 $0xD00;
	s15 =	simm.s32 $0x2680  }
0x4f: {  	[tilespmem:s15], [sflag:$0x1] =	stream.indirect.gather [hbm4b:s3+s9], $0x1, s14, s9, $0xb8;
	[tilespmem:$0x3380] =	vst v63  }
0x50: {  	s14 =	simm.s32 $0xD80;
	s15 =	simm.s32 $0x2700  }
0x51: {  	[tilespmem:s15], [sflag:$0x1] =	stream.indirect.gather [hbm4b:s3+s9], $0x1, s14, s9, $0xb8;
	[tilespmem:$0x3380] =	vst v63  }
0x52: {  	s14 =	simm.s32 $0xE00;
	s15 =	simm.s32 $0x2780  }
0x53: {  	[tilespmem:s15], [sflag:$0x1] =	stream.indirect.gather [hbm4b:s3+s9], $0x1, s14, s9, $0xb8;
	[tilespmem:$0x3380] =	vst v63  }
0x54: {  	s14 =	simm.s32 $0xE80;
	s15 =	simm.s32 $0x2800  }
0x55: {  	[tilespmem:s15], [sflag:$0x1] =	stream.indirect.gather [hbm4b:s3+s9], $0x1, s14, s9, $0xb8;
	[tilespmem:$0x3380] =	vst v63  }
0x56: {  	s14 =	simm.s32 $0xF00;
	s15 =	simm.s32 $0x2880  }
0x57: {  	[tilespmem:s15], [sflag:$0x1] =	stream.indirect.gather [hbm4b:s3+s9], $0x1, s14, s9, $0xb8;
	[tilespmem:$0x3380] =	vst v63  }
0x58: {  	s14 =	simm.s32 $0xF80;
	s15 =	simm.s32 $0x2900  }
0x59: {  	[tilespmem:s15], [sflag:$0x1] =	stream.indirect.gather [hbm4b:s3+s9], $0x1, s14, s9, $0xb8;
	[tilespmem:$0x3380] =	vst v63  }
0x5a: {  	s14 =	simm.s32 $0x1000;
	s15 =	simm.s32 $0x2980  }
0x5b: {  	[tilespmem:s15], [sflag:$0x1] =	stream.indirect.gather [hbm4b:s3+s9], $0x1, s14, s9, $0xb8;
	[tilespmem:$0x3380] =	vst v63  }
0x5c: {  	s14 =	simm.s32 $0x1080;
	s15 =	simm.s32 $0x2A00  }
0x5d: {  	[tilespmem:s15], [sflag:$0x1] =	stream.indirect.gather [hbm4b:s3+s9], $0x1, s14, s9, $0xb8;
	[tilespmem:$0x3380] =	vst v63  }
0x5e: {  	s14 =	simm.s32 $0x1100;
	s15 =	simm.s32 $0x2A80  }
0x5f: {  	[tilespmem:s15], [sflag:$0x1] =	stream.indirect.gather [hbm4b:s3+s9], $0x1, s14, s9, $0xb8;
	[tilespmem:$0x3380] =	vst v63  }
0x60: {  	s14 =	simm.s32 $0x1180;
	s15 =	simm.s32 $0x2B00  }
0x61: {  	[tilespmem:s15], [sflag:$0x1] =	stream.indirect.gather [hbm4b:s3+s9], $0x1, s14, s9, $0xb8;
	[tilespmem:$0x3380] =	vst v63  }
0x62: {  	s14 =	simm.s32 $0x1200;
	s15 =	simm.s32 $0x2B80  }
0x63: {  	[tilespmem:s15], [sflag:$0x1] =	stream.indirect.gather [hbm4b:s3+s9], $0x1, s14, s9, $0xb8;
	[tilespmem:$0x3380] =	vst v63  }
0x64: {  	s14 =	simm.s32 $0x1280;
	s15 =	simm.s32 $0x2C00  }
0x65: {  	[tilespmem:s15], [sflag:$0x1] =	stream.indirect.gather [hbm4b:s3+s9], $0x1, s14, s9, $0xb8;
	[tilespmem:$0x3380] =	vst v63  }
0x66: {  	s14 =	simm.s32 $0x1300;
	s15 =	simm.s32 $0x2C80  }
0x67: {  	[tilespmem:s15], [sflag:$0x1] =	stream.indirect.gather [hbm4b:s3+s9], $0x1, s14, s9, $0xb8;
	[tilespmem:$0x3380] =	vst v63  }
0x68: {  	s14 =	simm.s32 $0x1380;
	s15 =	simm.s32 $0x2D00  }
0x69: {  	[tilespmem:s15], [sflag:$0x1] =	stream.indirect.gather [hbm4b:s3+s9], $0x1, s14, s9, $0xb8;
	[tilespmem:$0x3380] =	vst v63  }
0x6a: {  	s14 =	simm.s32 $0x1400;
	s15 =	simm.s32 $0x2D80  }
0x6b: {  	[tilespmem:s15], [sflag:$0x1] =	stream.indirect.gather [hbm4b:s3+s9], $0x1, s14, s9, $0xb8;
	[tilespmem:$0x3380] =	vst v63  }
0x6c: {  	s14 =	simm.s32 $0x1480;
	s15 =	simm.s32 $0x2E00  }
0x6d: {  	[tilespmem:s15], [sflag:$0x1] =	stream.indirect.gather [hbm4b:s3+s9], $0x1, s14, s9, $0xb8;
	[tilespmem:$0x3380] =	vst v63  }
0x6e: {  	s14 =	simm.s32 $0x1500;
	s15 =	simm.s32 $0x2E80  }
0x6f: {  	[tilespmem:s15], [sflag:$0x1] =	stream.indirect.gather [hbm4b:s3+s9], $0x1, s14, s9, $0xb8;
	[tilespmem:$0x3380] =	vst v63  }
0x70: {  	_ = 	snop  }
0x71: {  	[tilespmem:s17], [sflag:$0x1] =	stream.indirect.gather [hbm4b:s3+s9], $0x1, s16, s9, $0xb8;
	[tilespmem:$0x3380] =	vst v63  }
0x72: {  	_ = 	snop  }
0x73: {  	[tilespmem:s19], [sflag:$0x1] =	stream.indirect.gather [hbm4b:s3+s9], $0x1, s18, s9, $0xb8;
	[tilespmem:$0x3380] =	vst v63  }
0x74: {  	_ = 	snop  }
0x75: {  	[tilespmem:s21], [sflag:$0x1] =	stream.indirect.gather [hbm4b:s3+s9], $0x1, s20, s9, $0xb8;
	[tilespmem:$0x3380] =	vst v63  }
0x76: {  	_ = 	snop  }
0x77: {  	[tilespmem:s23], [sflag:$0x1] =	stream.indirect.gather [hbm4b:s3+s9], $0x1, s22, s9, $0xb8;
	[tilespmem:$0x3380] =	vst v63  }
0x78: {  	_ = 	snop  }
0x79: {  	[tilespmem:s25], [sflag:$0x1] =	stream.indirect.gather [hbm4b:s3+s9], $0x1, s24, s9, $0xb8;
	[tilespmem:$0x3380] =	vst v63  }
0x7a: {  	_ = 	snop  }
0x7b: {  	[tilespmem:s28], [sflag:$0x1] =	stream.indirect.gather [hbm4b:s3+s9], $0x1, s26, s9, $0xb8;
	[tilespmem:$0x3380] =	vst v63  }
0x7c: {  	_ = 	snop  }
0x7d: {  	[tilespmem:s30], [sflag:$0x1] =	stream.indirect.gather [hbm4b:s3+s9], $0x1, s29, s9, $0xb8;
	[tilespmem:$0x3380] =	vst v63  }
0x7e: {  	_ = 	snop  }
0x7f: {  	[tilespmem:s31], [sflag:$0x1] =	stream.indirect.gather [hbm4b:s4+s9], $0x1, s12, s9, $0xb8;
	[tilespmem:$0x3380] =	vst v63  }
0x80: {  	_ =	swait.ge [sflag:s0], $0x80  }
0x81: {  	[sflag:s0] =	ssyncset.done $0x0  }
0x82: {  	[sflag:s0] =	ssyncadd.s32 $0xFFFFFF80  }
0x83: {  	_ =	swait.ge [sflag:s0], $0x80  }
0x84: {  	[sflag:s0] =	ssyncset.done $0x0  }
0x85: {  	[sflag:s0] =	ssyncadd.s32 $0xFFFFFF80  }
0x86: {  	_ =	swait.ge [sflag:s0], $0x80  }
0x87: {  	[sflag:s0] =	ssyncset.done $0x0  }
0x88: {  	[sflag:s0] =	ssyncadd.s32 $0xFFFFFF80  }
0x89: {  	_ =	swait.ge [sflag:s0], $0x80  }
0x8a: {  	[sflag:s0] =	ssyncset.done $0x0  }
0x8b: {  	[sflag:s0] =	ssyncadd.s32 $0xFFFFFF80  }
0x8c: {  	_ =	swait.ge [sflag:s0], $0x80  }
0x8d: {  	[sflag:s0] =	ssyncset.done $0x0  }
0x8e: {  	[sflag:s0] =	ssyncadd.s32 $0xFFFFFF80  }
0x8f: {  	_ =	swait.ge [sflag:s0], $0x80  }
0x90: {  	[sflag:s0] =	ssyncset.done $0x0  }
0x91: {  	[sflag:s0] =	ssyncadd.s32 $0xFFFFFF80  }
0x92: {  	_ =	swait.ge [sflag:s0], $0x80  }
0x93: {  	[sflag:s0] =	ssyncset.done $0x0  }
0x94: {  	[sflag:s0] =	ssyncadd.s32 $0xFFFFFF80  }
0x95: {  	_ =	swait.ge [sflag:s0], $0x80  }
0x96: {  	[sflag:s0] =	ssyncset.done $0x0  }
0x97: {  	[sflag:s0] =	ssyncadd.s32 $0xFFFFFF80  }
0x98: {  	_ =	swait.ge [sflag:s0], $0x80  }
0x99: {  	[sflag:s0] =	ssyncset.done $0x0  }
0x9a: {  	[sflag:s0] =	ssyncadd.s32 $0xFFFFFF80  }
0x9b: {  	_ =	swait.ge [sflag:s0], $0x80  }
0x9c: {  	[sflag:s0] =	ssyncset.done $0x0  }
0x9d: {  	[sflag:s0] =	ssyncadd.s32 $0xFFFFFF80  }
0x9e: {  	_ =	swait.ge [sflag:s0], $0x80  }
0x9f: {  	[sflag:s0] =	ssyncset.done $0x0  }
0xa0: {  	[sflag:s0] =	ssyncadd.s32 $0xFFFFFF80  }
0xa1: {  	_ =	swait.ge [sflag:s0], $0x80  }
0xa2: {  	[sflag:s0] =	ssyncset.done $0x0  }
0xa3: {  	[sflag:s0] =	ssyncadd.s32 $0xFFFFFF80  }
0xa4: {  	_ =	swait.ge [sflag:s0], $0x80  }
0xa5: {  	[sflag:s0] =	ssyncset.done $0x0  }
0xa6: {  	[sflag:s0] =	ssyncadd.s32 $0xFFFFFF80  }
0xa7: {  	_ =	swait.ge [sflag:s0], $0x80  }
0xa8: {  	[sflag:s0] =	ssyncset.done $0x0  }
0xa9: {  	[sflag:s0] =	ssyncadd.s32 $0xFFFFFF80  }
0xaa: {  	_ =	swait.ge [sflag:s0], $0x80  }
0xab: {  	[sflag:s0] =	ssyncset.done $0x0  }
0xac: {  	[sflag:s0] =	ssyncadd.s32 $0xFFFFFF80  }
0xad: {  	_ =	swait.ge [sflag:s0], $0x80  }
0xae: {  	[sflag:s0] =	ssyncset.done $0x0  }
0xaf: {  	[sflag:s0] =	ssyncadd.s32 $0xFFFFFF80  }
0xb0: {  	_ =	swait.ge [sflag:s0], $0x80  }
0xb1: {  	[sflag:s0] =	ssyncset.done $0x0  }
0xb2: {  	[sflag:s0] =	ssyncadd.s32 $0xFFFFFF80  }
0xb3: {  	_ =	swait.ge [sflag:s0], $0x80  }
0xb4: {  	[sflag:s0] =	ssyncset.done $0x0  }
0xb5: {  	[sflag:s0] =	ssyncadd.s32 $0xFFFFFF80  }
0xb6: {  	_ =	swait.ge [sflag:s0], $0x80  }
0xb7: {  	[sflag:s0] =	ssyncset.done $0x0  }
0xb8: {  	[sflag:s0] =	ssyncadd.s32 $0xFFFFFF80  }
0xb9: {  	_ =	swait.ge [sflag:s0], $0x80  }
0xba: {  	[sflag:s0] =	ssyncset.done $0x0  }
0xbb: {  	[sflag:s0] =	ssyncadd.s32 $0xFFFFFF80  }
0xbc: {  	_ =	swait.ge [sflag:s0], $0x80  }
0xbd: {  	[sflag:s0] =	ssyncset.done $0x0  }
0xbe: {  	[sflag:s0] =	ssyncadd.s32 $0xFFFFFF80  }
0xbf: {  	_ =	swait.ge [sflag:s0], $0x80  }
0xc0: {  	[sflag:s0] =	ssyncset.done $0x0  }
0xc1: {  	[sflag:s0] =	ssyncadd.s32 $0xFFFFFF80  }
0xc2: {  	_ =	swait.ge [sflag:s0], $0x80  }
0xc3: {  	[sflag:s0] =	ssyncset.done $0x0  }
0xc4: {  	[sflag:s0] =	ssyncadd.s32 $0xFFFFFF80  }
0xc5: {  	_ =	swait.ge [sflag:s0], $0x80  }
0xc6: {  	[sflag:s0] =	ssyncset.done $0x0  }
0xc7: {  	[sflag:s0] =	ssyncadd.s32 $0xFFFFFF80  }
0xc8: {  	_ =	swait.ge [sflag:s0], $0x80  }
0xc9: {  	[sflag:s0] =	ssyncset.done $0x0  }
0xca: {  	[sflag:s0] =	ssyncadd.s32 $0xFFFFFF80  }
0xcb: {  	_ =	swait.ge [sflag:s0], $0x80  }
0xcc: {  	[sflag:s0] =	ssyncset.done $0x0  }
0xcd: {  	[sflag:s0] =	ssyncadd.s32 $0xFFFFFF80  }
0xce: {  	_ =	swait.ge [sflag:s0], $0x80  }
0xcf: {  	[sflag:s0] =	ssyncset.done $0x0  }
0xd0: {  	[sflag:s0] =	ssyncadd.s32 $0xFFFFFF80  }
0xd1: {  	_ =	swait.ge [sflag:s0], $0x80  }
0xd2: {  	[sflag:s0] =	ssyncset.done $0x0  }
0xd3: {  	[sflag:s0] =	ssyncadd.s32 $0xFFFFFF80  }
0xd4: {  	_ =	swait.ge [sflag:s0], $0x80  }
0xd5: {  	[sflag:s0] =	ssyncset.done $0x0  }
0xd6: {  	[sflag:s0] =	ssyncadd.s32 $0xFFFFFF80  }
0xd7: {  	_ =	swait.ge [sflag:s0], $0x80  }
0xd8: {  	[sflag:s0] =	ssyncset.done $0x0  }
0xd9: {  	[sflag:s0] =	ssyncadd.s32 $0xFFFFFF80  }
0xda: {  	_ =	swait.ge [sflag:s0], $0x80  }
0xdb: {  	[sflag:s0] =	ssyncset.done $0x0  }
0xdc: {  	[sflag:s0] =	ssyncadd.s32 $0xFFFFFF80  }
0xdd: {  	_ =	swait.ge [sflag:s0], $0x80  }
0xde: {  	[sflag:s0] =	ssyncset.done $0x0  }
0xdf: {  	[sflag:s0] =	ssyncadd.s32 $0xFFFFFF80  }
0xe0: {  	_ =	swait.ge [sflag:s0], $0x80  }
0xe1: {  	[sflag:s0] =	ssyncset.done $0x0  }
0xe2: {  	[sflag:s0] =	ssyncadd.s32 $0xFFFFFF80  }
0xe3: {  	_ =	swait.ge [sflag:s0], $0x80  }
0xe4: {  	[sflag:s0] =	ssyncset.done $0x0  }
0xe5: {  	[sflag:s0] =	ssyncadd.s32 $0xFFFFFF80  }
0xe6: {  	_ =	swait.ge [sflag:s0], $0x80  }
0xe7: {  	[sflag:s0] =	ssyncset.done $0x0  }
0xe8: {  	[sflag:s0] =	ssyncadd.s32 $0xFFFFFF80  }
0xe9: {  	_ =	swait.ge [sflag:s0], $0x80  }
0xea: {  	[sflag:s0] =	ssyncset.done $0x0  }
0xeb: {  	[sflag:s0] =	ssyncadd.s32 $0xFFFFFF80  }
0xec: {  	_ =	swait.ge [sflag:s0], $0x80  }
0xed: {  	[sflag:s0] =	ssyncset.done $0x0  }
0xee: {  	[sflag:s0] =	ssyncadd.s32 $0xFFFFFF80  }
0xef: {  	_ =	swait.ge [sflag:s0], $0x80  }
0xf0: {  	[sflag:s0] =	ssyncset.done $0x0  }
0xf1: {  	[sflag:s0] =	ssyncadd.s32 $0xFFFFFF80  }
0xf2: {  	_ =	swait.ge [sflag:s0], $0x80  }
0xf3: {  	[sflag:s0] =	ssyncset.done $0x0  }
0xf4: {  	[sflag:s0] =	ssyncadd.s32 $0xFFFFFF80  }
0xf5: {  	_ =	swait.ge [sflag:s0], $0x80  }
0xf6: {  	[sflag:s0] =	ssyncset.done $0x0  }
0xf7: {  	[sflag:s0] =	ssyncadd.s32 $0xFFFFFF80  }
0xf8: {  	_ =	swait.ge [sflag:s0], $0x80  }
0xf9: {  	[sflag:s0] =	ssyncset.done $0x0  }
0xfa: {  	[sflag:s0] =	ssyncadd.s32 $0xFFFFFF80  }
0xfb: {  	_ =	swait.ge [sflag:s0], $0x80  }
0xfc: {  	[sflag:s0] =	ssyncset.done $0x0  }
0xfd: {  	[sflag:s0] =	ssyncadd.s32 $0xFFFFFF80  }
0xfe: {  	_ =	swait.ge [sflag:s0], $0x80  }
0xff: {  	[sflag:s0] =	ssyncset.done $0x0  }
0x100: {  	[sflag:s0] =	ssyncadd.s32 $0xFFFFFF80  }
0x101: {  	_ =	swait.ge [sflag:s0], $0x80  }
0x102: {  	[sflag:s0] =	ssyncset.done $0x0  }
0x103: {  	[sflag:s0] =	ssyncadd.s32 $0xFFFFFF80  }
0x104: {  	_ =	swait.ge [sflag:s0], $0x80  }
0x105: {  	[sflag:s0] =	ssyncset.done $0x0  }
0x106: {  	[sflag:s0] =	ssyncadd.s32 $0xFFFFFF80  }
0x107: {  	_ =	swait.ge [sflag:s0], $0x80  }
0x108: {  	[sflag:s0] =	ssyncset.done $0x0  }
0x109: {  	[sflag:s0] =	ssyncadd.s32 $0xFFFFFF80  }
0x10a: {  	_ =	swait.ge [sflag:s0], $0x80  }
0x10b: {  	[sflag:s0] =	ssyncset.done $0x0  }
0x10c: {  	[sflag:s0] =	ssyncadd.s32 $0xFFFFFF80  }
0x10d: {  	_ =	swait.ge [sflag:s0], $0x80  }
0x10e: {  	[sflag:s0] =	ssyncset.done $0x0  }
0x10f: {  	[sflag:s0] =	ssyncadd.s32 $0xFFFFFF80  }
0x110: {  	_ =	swait.ge [sflag:s0], $0x80  }
0x111: {  	[sflag:s0] =	ssyncset.done $0x0  }
0x112: {  	[sflag:s0] =	ssyncadd.s32 $0xFFFFFF80  }
0x113: {  	_ =	swait.ge [sflag:s0], $0x80  }
0x114: {  	[sflag:s0] =	ssyncset.done $0x0  }
0x115: {  	[sflag:s0] =	ssyncadd.s32 $0xFFFFFF80  }
0x116: {  	_ =	swait.ge [sflag:s0], $0x80  }
0x117: {  	[sflag:s0] =	ssyncset.done $0x0  }
0x118: {  	s15 =	simm.s32 $0x0;
	[sflag:s0] =	ssyncadd.s32 $0xFFFFFF80  }
0x119: {  	v0 =	vld [tilespmem:s15+$0x19F0]  }
0x11a: {  	v1 =	vld [tilespmem:s15+$0x1980]  }
0x11b: {  	v2 =	vld [tilespmem:s15+$0x1990]  }
0x11c: {  	v10 =	vld [tilespmem:s15+$0x19A0]  }
0x11d: {  	v8 =	vld [tilespmem:s15+$0x19B0]  }
0x11e: {  	v9 =	vimm.f32 $0.0e+00;
	v7 =	vimm.f32 $0.0e+00;
	v5 =	vld [tilespmem:s15+$0x19C0]  }
0x11f: {  	v6 =	vimm.f32 $0.0e+00;
	v3 =	vimm.f32 $0.0e+00;
	v4 =	vld [tilespmem:s15+$0x19D0];
	v0 =	vadd.f32 v0, v9  }
0x120: {  	s14 =	simm.s32 $0x80;
	v12 =	vadd.f32 v1, v9;
	v11 =	vadd.f32 v2, v9;
	v2 =	vld [tilespmem:s15+$0x19E0];
	s15 =	simm.s32 $0x400;
	v1 =	vimm.f32 $0.0e+00  }
.LBB2_2:
0x121: {  	p0 =	sne.s32 s15, $0x6200;
	v13 =	vld [tilespmem:s14+$0x19F0];
	v9 =	vadd.f32 v10, v9  }
0x122: {  	v14 =	vld [tilespmem:s14+$0x1980];
	v7 =	vadd.f32 v8, v7  }
0x123: {  	v15 =	vld [tilespmem:s14+$0x1990];
	v6 =	vadd.f32 v5, v6  }
.Ltmp0:
0x124: {  	v10 =	vld [tilespmem:s14+$0x19A0];
	v3 =	vadd.f32 v4, v3;
	(pc) =	sbr.rel @p0 .LBB2_2-.Ltmp0, $4  }
0x125: {  	v8 =	vld [tilespmem:s14+$0x19B0];
	v1 =	vadd.f32 v2, v1  }
0x126: {  	v5 =	vld [tilespmem:s14+$0x19C0];
	v0 =	vadd.f32 v13, v0  }
0x127: {  	v12 =	vadd.f32 v14, v12;
	v4 =	vld [tilespmem:s14+$0x19D0]  }
0x128: {  	v11 =	vadd.f32 v15, v11;
	v2 =	vld [tilespmem:s14+$0x19E0];
	s14 =	sshra.s32 s15, $0x2;
	s15 =	sadd.s32 $0x200, s15  }
0x129: {  	v13 =	vld [tilespmem:s14+$0x1980];
	_ =	sdelay $0x1  }
0x12a: {  	v14 =	vld [tilespmem:$0x3280];
	_ =	sdelay $0x2  }
0x12b: {  	v12 =	vadd.f32 v13, v12;
	_ =	sdelay $0x1  }
0x12c: {  	v12 =	vadd.f32 v14, v12;
	_ =	sdelay $0x1  }
0x12d: {  	v12 =	vsub.f32 $0.0e+00, v12;
	_ =	sdelay $0x1  }
0x12e: {  	v12 =	vmul.f32 $1.442695020e+00, v12;
	_ =	sdelay $0x1  }
0x12f: {  	v34 =	vld [tilespmem:s14+$0x1990];
	(erf) = vpow2.f32 v12;
	_ =	sdelay $0x1  }
0x130: {  	v35 =	vld [tilespmem:$0x3290];
	_ =	sdelay $0x2  }
0x131: {  	v11 =	vadd.f32 v34, v11;
	_ =	sdelay $0x1  }
0x132: {  	v11 =	vadd.f32 v35, v11;
	_ =	sdelay $0x1  }
0x133: {  	v11 =	vsub.f32 $0.0e+00, v11;
	v36 =	vpop (erf)  }
0x134: {  	v12 =	vadd.f32 $1.000000000e+00, v36  }
0x135: {  	v11 =	vmul.f32 $1.442695020e+00, v11  }
0x136: {  	(erf) = vrcp.f32 v12  }
0x137: {  	v37 =	vld [tilespmem:s14+$0x19A0];
	(erf) = vpow2.f32 v11;
	_ =	sdelay $0x1  }
0x138: {  	v38 =	vld [tilespmem:$0x32A0]  }
0x139: {  	v9 =	vadd.f32 v10, v9;
	_ =	sdelay $0x1  }
0x13a: {  	v9 =	vadd.f32 v37, v9;
	_ =	sdelay $0x1  }
0x13b: {  	v9 =	vadd.f32 v38, v9  }
0x13c: {  	v39 =	vpop (erf)  }
0x13d: {  	v9 =	vsub.f32 $0.0e+00, v9;
	v40 =	vpop (erf)  }
0x13e: {  	v11 =	vadd.f32 $1.000000000e+00, v40  }
0x13f: {  	v9 =	vmul.f32 $1.442695020e+00, v9  }
0x140: {  	(erf) = vrcp.f32 v11  }
0x141: {  	v41 =	vld [tilespmem:s14+$0x19B0];
	(erf) = vpow2.f32 v9;
	_ =	sdelay $0x1  }
0x142: {  	v42 =	vld [tilespmem:$0x32B0]  }
0x143: {  	v7 =	vadd.f32 v8, v7;
	_ =	sdelay $0x1  }
0x144: {  	v7 =	vadd.f32 v41, v7;
	_ =	sdelay $0x1  }
0x145: {  	v7 =	vadd.f32 v42, v7  }
0x146: {  	v43 =	vpop (erf)  }
0x147: {  	v7 =	vsub.f32 $0.0e+00, v7;
	v44 =	vpop (erf)  }
0x148: {  	v9 =	vadd.f32 $1.000000000e+00, v44  }
0x149: {  	v7 =	vmul.f32 $1.442695020e+00, v7  }
0x14a: {  	(erf) = vrcp.f32 v9  }
0x14b: {  	v45 =	vld [tilespmem:s14+$0x19C0];
	(erf) = vpow2.f32 v7;
	_ =	sdelay $0x1  }
0x14c: {  	v46 =	vld [tilespmem:$0x32C0]  }
0x14d: {  	v5 =	vadd.f32 v5, v6;
	_ =	sdelay $0x1  }
0x14e: {  	v5 =	vadd.f32 v45, v5;
	_ =	sdelay $0x1  }
0x14f: {  	v5 =	vadd.f32 v46, v5  }
0x150: {  	v47 =	vpop (erf)  }
0x151: {  	v5 =	vsub.f32 $0.0e+00, v5;
	v48 =	vpop (erf)  }
0x152: {  	v7 =	vadd.f32 $1.000000000e+00, v48  }
0x153: {  	v5 =	vmul.f32 $1.442695020e+00, v5  }
0x154: {  	(erf) = vrcp.f32 v7  }
0x155: {  	v49 =	vld [tilespmem:s14+$0x19D0];
	(erf) = vpow2.f32 v5;
	_ =	sdelay $0x1  }
0x156: {  	v50 =	vld [tilespmem:$0x32D0]  }
0x157: {  	v3 =	vadd.f32 v4, v3;
	_ =	sdelay $0x1  }
0x158: {  	v3 =	vadd.f32 v49, v3;
	_ =	sdelay $0x1  }
0x159: {  	v3 =	vadd.f32 v50, v3  }
0x15a: {  	v51 =	vpop (erf)  }
0x15b: {  	v3 =	vsub.f32 $0.0e+00, v3;
	v52 =	vpop (erf)  }
0x15c: {  	v5 =	vadd.f32 $1.000000000e+00, v52  }
0x15d: {  	v3 =	vmul.f32 $1.442695020e+00, v3  }
0x15e: {  	(erf) = vrcp.f32 v5  }
0x15f: {  	v53 =	vld [tilespmem:s14+$0x19E0];
	(erf) = vpow2.f32 v3;
	_ =	sdelay $0x1  }
0x160: {  	v54 =	vld [tilespmem:$0x32E0]  }
0x161: {  	v1 =	vadd.f32 v2, v1;
	_ =	sdelay $0x1  }
0x162: {  	v1 =	vadd.f32 v53, v1;
	_ =	sdelay $0x1  }
0x163: {  	v1 =	vadd.f32 v54, v1  }
0x164: {  	v55 =	vpop (erf)  }
0x165: {  	v1 =	vsub.f32 $0.0e+00, v1;
	v56 =	vpop (erf)  }
0x166: {  	v3 =	vadd.f32 $1.000000000e+00, v56  }
0x167: {  	v1 =	vmul.f32 $1.442695020e+00, v1  }
0x168: {  	(erf) = vrcp.f32 v3  }
0x169: {  	v57 =	vld [tilespmem:s14+$0x19F0];
	(erf) = vpow2.f32 v1;
	_ =	sdelay $0x1  }
0x16a: {  	v58 =	vld [tilespmem:$0x32F0];
	_ =	sdelay $0x2  }
0x16b: {  	v0 =	vadd.f32 v57, v0;
	_ =	sdelay $0x1  }
0x16c: {  	v0 =	vadd.f32 v58, v0  }
0x16d: {  	v59 =	vpop (erf)  }
0x16e: {  	v0 =	vsub.f32 $0.0e+00, v0;
	v60 =	vpop (erf)  }
0x16f: {  	v3 =	vadd.f32 $1.000000000e+00, v60  }
0x170: {  	v0 =	vmul.f32 $1.442695020e+00, v0  }
0x171: {  	(erf) = vrcp.f32 v3  }
0x172: {  	(erf) = vpow2.f32 v0;
	_ =	sdelay $0x7  }
0x173: {  	v61 =	vpop (erf)  }
0x174: {  	v62 =	vpop (erf)  }
0x175: {  	v3 =	vadd.f32 $1.000000000e+00, v62;
	_ =	sdelay $0x1  }
0x176: {  	(erf) = vrcp.f32 v3;
	_ =	sdelay $0x2  }
0x177: {  	[tilespmem:$0x3300] =	vst v39  }
0x178: {  	[tilespmem:$0x3310] =	vst v43  }
0x179: {  	[tilespmem:$0x3320] =	vst v47  }
0x17a: {  	[tilespmem:$0x3330] =	vst v51  }
0x17b: {  	[tilespmem:$0x3340] =	vst v55  }
0x17c: {  	s13 =	sadd.s32 $0x1, s13;
	[tilespmem:$0x3350] =	vst v59  }
0x17d: {  	p0 =	sne.s32 s13, s8;
	[tilespmem:$0x3360] =	vst v61;
	v63 =	vpop (erf)  }
.Ltmp1:
0x17e: {  	[tilespmem:$0x3370] =	vst v63;
	(pc) =	sbr.rel @p0 .LBB2_1-.Ltmp1, $4  }
0x17f: {  	[hbm4b:s7+s2] =	stream.linear.scatter [tilespmem:s1], [sflag:$0x2], $0x80, $0x38;
	[tilespmem:$0x3380] =	vst v63  }
0x180: {  	_ =	swait.ge [sflag:s11], $0x80  }
0x181: {  	[sflag:s11] =	ssyncset.done $0x0  }
0x182: {  	[sflag:s11] =	ssyncadd.s32 $0xFFFFFF80  }
0x183: {  	_ =	sfence.sel $0x180000  }
0x184: {  	[bflag:$0x0] =	sbarrier.arrive $0xFFFF  }
0x185: {  	_ =	strace $0x90000047  }
0x186: {  	s0 =	stileid.u32;
	[bflag:$0x2] =	sbarrier.arrive $0xFFFF  }
0x187: {  	p0 =	sne.s32 s0, $0x0;
	s0 =	rddreg [dreg:$0x3]  }
0x188: {  	s0 =	sadd.s32 @!p0 $0x100000, s0  }
0x189: {  	[sflag:s0] =	ssyncadd.tile.s32 @!p0 $0x1;
	_ =	shalt  }
.Lfunc_end2:
_tile_overlayer_lowered:
.L_overlay_start_2:
0x18a: {  	(tag) =	ssettag $0x2  }
0x18b: {  	s0 =	rddreg [dreg:$0x0];
	s2 =	stileid.u32  }
0x18c: {  	s1 =	rddreg [dreg:$0x1];
	p0 =	sne.s32 s2, $0x0  }
0x18d: {  	s3 =	rddreg [dreg:$0x2];
	[bflag:$0x3] =	sbarrier.arrive $0xFFFF;
	s2 =	simm.s32 @!p0 $0x1C02  }
0x18e: {  	[timem:s3], [sflag:s2] =	dma.local @!p0 [hbm:s0], s1  }
0x18f: {  	s0 =	simm.s32 @!p0 $0x2  }
0x190: {  	_ =	swait.ge @!p0 [sflag:s0], s1  }
0x191: {  	s1 =	ssub.s32 @!p0 $0x0, s1;
	[sflag:s0] =	ssyncset.done @!p0 $0x0  }
0x192: {  	[sflag:s0] =	ssyncadd.s32 @!p0 s1  }
0x193: {  	[bflag:$0x3] =	sbarrier.arrive $0xFFFF  }
0x194: {  	_ =	shalt  }

</sc_bundles>
